<compile_context>
chip_gen: v7x
topology: tpu7x:2x2x1
jax: 0.10.2.dev20260603
libtpu: 0.0.44.dev20260713+nightly
codegen_flags: <defaults>
</compile_context>

<pallas_src>
import functools

import jax
import jax.numpy as jnp
from jax import lax
from jax.experimental import pallas as pl
from jax.experimental.pallas import tpu as pltpu
from jax.experimental.pallas import tpu_sc as plsc

_NW = 32
_CHUNK = 128


def _reproject(T, K, xyz):
    Xc = xyz @ T[:, :3].T + T[:, 3]
    uvw = Xc @ K.T
    pos2d = uvw[:, :2] / uvw[:, 2:3]
    depth = Xc[:, 2]
    return pos2d, depth


def _sc_gather_soa(tables, idx3):
    nw, nch, ck = idx3.shape
    bpw = nch * ck
    nt = len(tables)
    mesh = plsc.VectorSubcoreMesh(core_axis_name="c", subcore_axis_name="s")

    @functools.partial(
        pl.kernel,
        out_type=[jax.ShapeDtypeStruct((nw * bpw,), jnp.float32)] * nt,
        mesh=mesh,
        scratch_types=[pltpu.VMEM((nch, ck), jnp.int32)]
        + [pltpu.VMEM((bpw,), jnp.float32)] * nt
        + [pltpu.SemaphoreType.DMA, pltpu.SemaphoreType.DMA],
    )
    def k(*refs):
        t_hbm = refs[:nt]
        idx_hbm = refs[nt]
        out_hbm = refs[nt + 1 : 2 * nt + 1]
        idx_v = refs[2 * nt + 1]
        bufs = refs[2 * nt + 2 : 3 * nt + 2]
        sem = refs[3 * nt + 2]
        sem_out = refs[3 * nt + 3]
        wid = lax.axis_index("s") * 2 + lax.axis_index("c")
        pltpu.sync_copy(idx_hbm.at[wid], idx_v)
        copies = [
            [
                pltpu.async_copy(
                    t_hbm[t].at[idx_v.at[c]], bufs[t].at[pl.ds(c * ck, ck)], sem
                )
                for c in range(nch)
            ]
            for t in range(nt)
        ]
        out_copies = []
        for t in range(nt):
            for cp in copies[t]:
                cp.wait()
            out_copies.append(
                pltpu.async_copy(
                    bufs[t], out_hbm[t].at[pl.ds(wid * bpw, bpw)], sem_out
                )
            )
        for cp in out_copies:
            cp.wait()

    return k(*tables, idx3)


def _stage1_body(xs, ys, zs, ws, pxs, pys, qx, qy, err_ref, ol_ref, r1_ref,
                 r2_ref, ni_ref, nv_ref, nc_ref):
    x = xs[...]
    y = ys[...]
    z = zs[...]
    w = ws[...]
    qxv = qx[...]
    qyv = qy[...]
    dx = pxs[...] - qxv
    dy = pys[...] - qyv
    err = jnp.sqrt(dx * dx + dy * dy)
    err_ref[...] = err
    ol_ref[...] = err * w
    sel = w > 0.5
    inl = err < 14.0
    ni_ref[0, 0] = jnp.sum((inl & sel).astype(jnp.int32))
    nv_ref[0, 0] = jnp.sum(sel.astype(jnp.int32))
    nc_ref[0, 0] = jnp.sum(inl.astype(jnp.int32))
    zero = jnp.zeros_like(x)
    mqx = -qxv
    mqy = -qyv
    r1_ref[0] = x * w
    r1_ref[1] = y * w
    r1_ref[2] = z * w
    r1_ref[3] = w
    r1_ref[4] = zero
    r1_ref[5] = zero
    r1_ref[6] = zero
    r1_ref[7] = zero
    r1_ref[8] = (mqx * x) * w
    r1_ref[9] = (mqx * y) * w
    r1_ref[10] = (mqx * z) * w
    r1_ref[11] = mqx * w
    r2_ref[0] = zero
    r2_ref[1] = zero
    r2_ref[2] = zero
    r2_ref[3] = zero
    r2_ref[4] = x * w
    r2_ref[5] = y * w
    r2_ref[6] = z * w
    r2_ref[7] = w
    r2_ref[8] = (mqy * x) * w
    r2_ref[9] = (mqy * y) * w
    r2_ref[10] = (mqy * z) * w
    r2_ref[11] = mqy * w


def kernel(r_xyz, r_alpha, q_pos_2d, q_K, q_gt_Tcw, q_dim_hw, r2q_matches):
    Mn = r2q_matches.shape[0]
    m0 = r2q_matches[:, 0].astype(jnp.int32)

    gx, gy, gz, gw = _sc_gather_soa(
        (r_xyz[:, 0], r_xyz[:, 1], r_xyz[:, 2], r_alpha),
        m0.reshape(_NW, Mn // (_NW * _CHUNK), _CHUNK),
    )
    g3 = jnp.stack([gx, gy, gz], axis=0).T
    sel_pos2d, _ = _reproject(q_gt_Tcw, q_K, g3)
    gpx = sel_pos2d[:, 0]
    gpy = sel_pos2d[:, 1]

    side = 128
    xs = gx.reshape(side, side)
    ys = gy.reshape(side, side)
    zs = gz.reshape(side, side)
    ws = gw.reshape(side, side)
    pxs = gpx.reshape(side, side)
    pys = gpy.reshape(side, side)
    qx = q_pos_2d[:, 0].reshape(side, side)
    qy = q_pos_2d[:, 1].reshape(side, side)

    f32 = jnp.float32
    err2, ol2, r1t, r2t, ni, nv, nc = pl.pallas_call(
        _stage1_body,
        out_shape=[
            jax.ShapeDtypeStruct((side, side), f32),
            jax.ShapeDtypeStruct((side, side), f32),
            jax.ShapeDtypeStruct((12, side, side), f32),
            jax.ShapeDtypeStruct((12, side, side), f32),
            jax.ShapeDtypeStruct((1, 1), jnp.int32),
            jax.ShapeDtypeStruct((1, 1), jnp.int32),
            jax.ShapeDtypeStruct((1, 1), jnp.int32),
        ],
        in_specs=[pl.BlockSpec(memory_space=pltpu.VMEM)] * 8,
        out_specs=[pl.BlockSpec(memory_space=pltpu.VMEM)] * 4
        + [pl.BlockSpec(memory_space=pltpu.SMEM)] * 3,
    )(xs, ys, zs, ws, pxs, pys, qx, qy)

    rl2q_2d_err = err2.reshape(Mn)
    outlier_loss = ol2.reshape(Mn)
    n_inlier = ni[0, 0]
    n_valid = nv[0, 0]
    n_inlier_check = nc[0, 0]
    sel_inlier_ratios = n_inlier / jnp.maximum(n_valid, 1)
    take_full = (n_inlier_check > 6) & (n_valid > 16)

    r1w = r1t.reshape(12, Mn).T
    r2w = r2t.reshape(12, Mn).T
    A = jnp.concatenate([r1w, r2w], axis=0)
    Mmat = A.T @ A
    _, evecs = jnp.linalg.eigh(Mmat)
    est_P = evecs[:, 0].reshape(3, 4)

    r_sel_pos3d = g3
    q_sel_pos2d = q_pos_2d
    r_prj_pos2d, _ = _reproject(est_P, jnp.eye(3, dtype=f32), r_sel_pos3d)
    r2q_repj_err = jnp.linalg.norm(r_prj_pos2d - q_sel_pos2d, axis=1)
    r2q_repj_err = jnp.where(r2q_repj_err > 40.0, 40.0, r2q_repj_err)
    r2q_repj_err = jnp.where(take_full, r2q_repj_err, jnp.zeros_like(r2q_repj_err))

    return (outlier_loss, r2q_repj_err, rl2q_2d_err, sel_inlier_ratios)

# --- scband reference (transcript-rebuilt; emitter-appended) ---
"""Pipeline reference for scband-dltpn-ploss-86328842650397 (READ-ONLY COPY).

The authoritative reference and input builder live on the scoring server;
editing this copy changes nothing except your own understanding.
"""

import jax, jax.numpy as jnp
import numpy as np

DLT_INLIER_PROJ_THRES = 14.0
MAX_REPJ_ERR = 40.0

def reproject(T, K, xyz):
    # T: [3,4] (extrinsic or full projective P), K: [3,3], xyz: [N,3]
    Xc = xyz @ T[:, :3].T + T[:, 3]
    uvw = Xc @ K.T
    pos2d = uvw[:, :2] / uvw[:, 2:3]
    depth = Xc[:, 2]
    return pos2d, depth

def is_in_t(pos2d, depth, dim_hw):
    h = dim_hw[0].astype(jnp.float32)
    w = dim_hw[1].astype(jnp.float32)
    return (depth > 0) & (pos2d[:, 0] >= 0) & (pos2d[:, 0] < w) & (pos2d[:, 1] >= 0) & (pos2d[:, 1] < h)

def corres_pos_from_pairs(a, b, matches):
    return a[matches[:, 0]], b[matches[:, 1]]

def DLT_P(p2d, p3d, w):
    N = p3d.shape[0]
    X = jnp.concatenate([p3d, jnp.ones((N, 1), p3d.dtype)], axis=1)  # [N,4]
    x = p2d[:, 0:1]
    y = p2d[:, 1:2]
    zeros = jnp.zeros_like(X)
    r1 = jnp.concatenate([X, zeros, -x * X], axis=1)  # [N,12]
    r2 = jnp.concatenate([zeros, X, -y * X], axis=1)  # [N,12]
    A = jnp.concatenate([r1 * w[:, None], r2 * w[:, None]], axis=0)  # [2N,12]
    M = A.T @ A
    evals, evecs = jnp.linalg.eigh(M)
    p = evecs[:, 0]  # eigenvector of smallest eigenvalue
    return p.reshape(3, 4)

def compute_selected_inliers(rl2q_2d_err, r_sel_alpha, alpha_thres=0.5, reproj_inlier_thres=5.0):
    valid = r_sel_alpha > alpha_thres
    n_valid = jnp.sum(valid)
    n_inlier = jnp.sum((rl2q_2d_err < reproj_inlier_thres) & valid)
    ratio = n_inlier / jnp.maximum(n_valid, 1)
    return n_inlier, ratio

def setup_inputs(seed: int = 0):
    key = jax.random.key(seed)
    k1, k2, k3, k4, k5 = jax.random.split(key, 5)
    N_ref = 65536
    M = 16384
    z = jax.random.uniform(k1, (N_ref,), minval=2.0, maxval=10.0)
    xn = jax.random.uniform(k2, (N_ref,), minval=-0.6, maxval=0.6)
    yn = jax.random.uniform(k3, (N_ref,), minval=-0.45, maxval=0.45)
    r_xyz = jnp.stack([xn * z, yn * z, z], axis=1).astype(jnp.float32)
    r_alpha = jax.random.uniform(k4, (N_ref,), dtype=jnp.float32)
    q_K = jnp.array([[500.0, 0.0, 320.0], [0.0, 500.0, 240.0], [0.0, 0.0, 1.0]], dtype=jnp.float32)
    q_gt_Tcw = jnp.concatenate([jnp.eye(3, dtype=jnp.float32), jnp.zeros((3, 1), dtype=jnp.float32)], axis=1)
    m0 = jax.random.randint(k5, (M,), 0, N_ref)
    m1 = jnp.arange(M)
    r2q_matches = jnp.stack([m0, m1], axis=1).astype(jnp.int64)
    gt2d, _ = reproject(q_gt_Tcw, q_K, r_xyz)
    noise = jax.random.normal(jax.random.fold_in(key, 7), (M, 2), dtype=jnp.float32) * 1.5
    q_pos_2d = gt2d[m0] + noise
    q_dim_hw = jnp.array([480, 640], dtype=jnp.int32)
    return {"r_xyz": r_xyz, "r_alpha": r_alpha, "q_pos_2d": q_pos_2d, "q_K": q_K,
            "q_gt_Tcw": q_gt_Tcw, "q_dim_hw": q_dim_hw, "r2q_matches": r2q_matches}

def reference(r_xyz, r_alpha, q_pos_2d, q_K, q_gt_Tcw, q_dim_hw, r2q_matches):
    rl_gt_pos2d, rl_gt_depth = reproject(q_gt_Tcw, q_K, r_xyz)
    rl_valid = is_in_t(rl_gt_pos2d, rl_gt_depth, q_dim_hw)
    r2q_valid_flags = rl_valid[r2q_matches[:, 0]]
    r2q_valid_idx = jnp.nonzero(r2q_valid_flags, size=r2q_matches.shape[0], fill_value=0)[0]
    matches = r2q_matches[r2q_valid_idx]
    rl_sel_pos2d, q_sel_pos2d_a = corres_pos_from_pairs(rl_gt_pos2d, q_pos_2d, matches)
    rl2q_2d_err = jnp.linalg.norm(rl_sel_pos2d - q_sel_pos2d_a, axis=1)
    outlier_loss = rl2q_2d_err * r_alpha[matches[:, 0]]
    r_sel_pos3d, q_sel_pos2d = corres_pos_from_pairs(r_xyz, q_pos_2d, matches)
    r_sel_alpha = r_alpha[matches[:, 0]]
    num_inliers, sel_inlier_ratios = compute_selected_inliers(
        rl2q_2d_err, r_sel_alpha, reproj_inlier_thres=DLT_INLIER_PROJ_THRES)
    rl2q_2d_err_mask = rl2q_2d_err < DLT_INLIER_PROJ_THRES
    sel_pts_mask = r_sel_alpha > 0.5
    n_inlier_check = jnp.sum(rl2q_2d_err_mask)
    n_sel_check = jnp.sum(sel_pts_mask)
    take_full = (n_inlier_check > 6) & (n_sel_check > 16)
    # full_repj_loss=True branch
    est_P = DLT_P(q_sel_pos2d, r_sel_pos3d, r_sel_alpha)
    r_prj_pos2d, _ = reproject(est_P, jnp.eye(3, dtype=jnp.float32), r_sel_pos3d)
    r2q_repj_err = jnp.linalg.norm(r_prj_pos2d - q_sel_pos2d, axis=1)
    r2q_repj_err = jnp.where(r2q_repj_err > MAX_REPJ_ERR, MAX_REPJ_ERR, r2q_repj_err)
    r2q_repj_err = jnp.where(take_full, r2q_repj_err, jnp.zeros_like(r2q_repj_err))
    return (outlier_loss, r2q_repj_err, rl2q_2d_err, sel_inlier_ratios)

if __name__ == "__main__":
    import jax
    _d = setup_inputs()
    print(jax.jit(kernel)(*tuple(_d.values())))

</pallas_src>

<mosaic_0001>
#map = affine_map<(d0, d1) -> (0)>
#map1 = affine_map<(d0, d1) -> (0, 0, 0)>
module attributes {stable_mosaic.version = 14 : i64} {
  func.func @k(%arg0: i32, %arg1: i32, %arg2: memref<65536xf32, #tpu.memory_space<hbm>>, %arg3: memref<65536xf32, #tpu.memory_space<hbm>>, %arg4: memref<65536xf32, #tpu.memory_space<hbm>>, %arg5: memref<65536xf32, #tpu.memory_space<hbm>>, %arg6: memref<32x4x128xi32, #tpu.memory_space<hbm>>, %arg7: memref<16384xf32, #tpu.memory_space<hbm>>, %arg8: memref<16384xf32, #tpu.memory_space<hbm>>, %arg9: memref<16384xf32, #tpu.memory_space<hbm>>, %arg10: memref<16384xf32, #tpu.memory_space<hbm>>, %arg11: memref<4x128xi32, #tpu.memory_space<vmem>>, %arg12: memref<512xf32, #tpu.memory_space<vmem>>, %arg13: memref<512xf32, #tpu.memory_space<vmem>>, %arg14: memref<512xf32, #tpu.memory_space<vmem>>, %arg15: memref<512xf32, #tpu.memory_space<vmem>>, %arg16: memref<!tpu.dma_semaphore, #tpu.memory_space<semaphore_mem>>, %arg17: memref<!tpu.dma_semaphore, #tpu.memory_space<semaphore_mem>>) attributes {dimension_semantics = [#tpu.dimension_semantics<core_parallel>, #tpu.dimension_semantics<subcore_parallel>], iteration_bounds = array<i64: 2, 16>, scalar_prefetch = 0 : i64, scratch_operands = 7 : i64, tpu.core_type = #tpu.core_type<sc_vector_subcore>, window_params = [{transform_indices = #map}, {transform_indices = #map}, {transform_indices = #map}, {transform_indices = #map}, {transform_indices = #map1}, {transform_indices = #map}, {transform_indices = #map}, {transform_indices = #map}, {transform_indices = #map}]} {
    %mul3A = arith.constant 2 : i32
    %mul3A_0 = arith.muli %arg1, %mul3A : i32
    %add3A = arith.addi %mul3A_0, %arg0 : i32
    "tpu.region"() ({
      %run_scoped3A = tpu.sem_alloc : memref<!tpu.dma_semaphore, #tpu.memory_space<semaphore_mem>>
      %dma_start3A_279 = arith.constant 0 : i32
      %dma_start3A_280 = arith.constant 0 : i32
      %dma_start3A_281 = tpu.memref_slice %arg6[%add3A, %dma_start3A_279, %dma_start3A_280] : memref<32x4x128xi32, #tpu.memory_space<hbm>> -> memref<1x4x128xi32, #tpu.memory_space<hbm>>
      %dma_start3A_282 = tpu.memref_squeeze %dma_start3A_281 : memref<1x4x128xi32, #tpu.memory_space<hbm>> -> memref<4x128xi32, #tpu.memory_space<hbm>>
      %dma_start3A_283 = arith.constant 0 : i32
      %dma_start3A_284 = arith.constant 0 : i32
      %dma_start3A_285 = tpu.memref_slice %arg6[%add3A, %dma_start3A_283, %dma_start3A_284] : memref<32x4x128xi32, #tpu.memory_space<hbm>> -> memref<1x4x128xi32, #tpu.memory_space<hbm>>
      %dma_start3A_286 = tpu.memref_squeeze %dma_start3A_285 : memref<1x4x128xi32, #tpu.memory_space<hbm>> -> memref<4x128xi32, #tpu.memory_space<hbm>>
      tpu.enqueue_dma source(%dma_start3A_286 : memref<4x128xi32, #tpu.memory_space<hbm>>) target(%arg11 : memref<4x128xi32, #tpu.memory_space<vmem>>) target_semaphore(%run_scoped3A : memref<!tpu.dma_semaphore, #tpu.memory_space<semaphore_mem>>)
      %dma_wait3A_287 = arith.constant 0 : i32
      %dma_wait3A_288 = arith.constant 0 : i32
      %dma_wait3A_289 = tpu.memref_slice %arg6[%add3A, %dma_wait3A_287, %dma_wait3A_288] : memref<32x4x128xi32, #tpu.memory_space<hbm>> -> memref<1x4x128xi32, #tpu.memory_space<hbm>>
      %dma_wait3A_290 = tpu.memref_squeeze %dma_wait3A_289 : memref<1x4x128xi32, #tpu.memory_space<hbm>> -> memref<4x128xi32, #tpu.memory_space<hbm>>
      %dma_wait3A_291 = arith.constant 0 : i32
      %dma_wait3A_292 = arith.constant 0 : i32
      %dma_wait3A_293 = tpu.memref_slice %arg6[%add3A, %dma_wait3A_291, %dma_wait3A_292] : memref<32x4x128xi32, #tpu.memory_space<hbm>> -> memref<1x4x128xi32, #tpu.memory_space<hbm>>
      %dma_wait3A_294 = tpu.memref_squeeze %dma_wait3A_293 : memref<1x4x128xi32, #tpu.memory_space<hbm>> -> memref<4x128xi32, #tpu.memory_space<hbm>>
      tpu.wait_dma2 semaphore(%run_scoped3A : memref<!tpu.dma_semaphore, #tpu.memory_space<semaphore_mem>>) src(%dma_wait3A_294 : memref<4x128xi32, #tpu.memory_space<hbm>>) dst(%arg11 : memref<4x128xi32, #tpu.memory_space<vmem>>)
      tpu.yield
    }) : () -> ()
    %dma_start3A = arith.constant 0 : i32
    %dma_start3A_1 = arith.constant 0 : i32
    %dma_start3A_2 = tpu.memref_slice %arg12[%dma_start3A_1] : memref<512xf32, #tpu.memory_space<vmem>> -> memref<128xf32, #tpu.memory_space<vmem>>
    %dma_start3A_3 = arith.constant 0 : i32
    %dma_start3A_4 = tpu.memref_slice %arg11[%dma_start3A, %dma_start3A_3] : memref<4x128xi32, #tpu.memory_space<vmem>> -> memref<1x128xi32, #tpu.memory_space<vmem>>
    %dma_start3A_5 = tpu.memref_squeeze %dma_start3A_4 : memref<1x128xi32, #tpu.memory_space<vmem>> -> memref<128xi32, #tpu.memory_space<vmem>>
    %dma_start3A_6 = arith.constant 0 : i32
    %dma_start3A_7 = tpu.memref_slice %arg2[%dma_start3A_6] : memref<65536xf32, #tpu.memory_space<hbm>> -> memref<65536xf32, #tpu.memory_space<hbm>>
    tpu.enqueue_indirect_dma source(%dma_start3A_7 : memref<65536xf32, #tpu.memory_space<hbm>>) target(%dma_start3A_2 : memref<128xf32, #tpu.memory_space<vmem>>) offsets(%dma_start3A_5 : memref<128xi32, #tpu.memory_space<vmem>>) semaphore(%arg16 : memref<!tpu.dma_semaphore, #tpu.memory_space<semaphore_mem>>)
    %dma_start3A_8 = arith.constant 1 : i32
    %dma_start3A_9 = arith.constant 128 : i32
    %dma_start3A_10 = tpu.memref_slice %arg12[%dma_start3A_9] : memref<512xf32, #tpu.memory_space<vmem>> -> memref<128xf32, #tpu.memory_space<vmem>>
    %dma_start3A_11 = arith.constant 0 : i32
    %dma_start3A_12 = tpu.memref_slice %arg11[%dma_start3A_8, %dma_start3A_11] : memref<4x128xi32, #tpu.memory_space<vmem>> -> memref<1x128xi32, #tpu.memory_space<vmem>>
    %dma_start3A_13 = tpu.memref_squeeze %dma_start3A_12 : memref<1x128xi32, #tpu.memory_space<vmem>> -> memref<128xi32, #tpu.memory_space<vmem>>
    %dma_start3A_14 = arith.constant 0 : i32
    %dma_start3A_15 = tpu.memref_slice %arg2[%dma_start3A_14] : memref<65536xf32, #tpu.memory_space<hbm>> -> memref<65536xf32, #tpu.memory_space<hbm>>
    tpu.enqueue_indirect_dma source(%dma_start3A_15 : memref<65536xf32, #tpu.memory_space<hbm>>) target(%dma_start3A_10 : memref<128xf32, #tpu.memory_space<vmem>>) offsets(%dma_start3A_13 : memref<128xi32, #tpu.memory_space<vmem>>) semaphore(%arg16 : memref<!tpu.dma_semaphore, #tpu.memory_space<semaphore_mem>>)
    %dma_start3A_16 = arith.constant 2 : i32
    %dma_start3A_17 = arith.constant 256 : i32
    %dma_start3A_18 = tpu.memref_slice %arg12[%dma_start3A_17] : memref<512xf32, #tpu.memory_space<vmem>> -> memref<128xf32, #tpu.memory_space<vmem>>
    %dma_start3A_19 = arith.constant 0 : i32
    %dma_start3A_20 = tpu.memref_slice %arg11[%dma_start3A_16, %dma_start3A_19] : memref<4x128xi32, #tpu.memory_space<vmem>> -> memref<1x128xi32, #tpu.memory_space<vmem>>
    %dma_start3A_21 = tpu.memref_squeeze %dma_start3A_20 : memref<1x128xi32, #tpu.memory_space<vmem>> -> memref<128xi32, #tpu.memory_space<vmem>>
    %dma_start3A_22 = arith.constant 0 : i32
    %dma_start3A_23 = tpu.memref_slice %arg2[%dma_start3A_22] : memref<65536xf32, #tpu.memory_space<hbm>> -> memref<65536xf32, #tpu.memory_space<hbm>>
    tpu.enqueue_indirect_dma source(%dma_start3A_23 : memref<65536xf32, #tpu.memory_space<hbm>>) target(%dma_start3A_18 : memref<128xf32, #tpu.memory_space<vmem>>) offsets(%dma_start3A_21 : memref<128xi32, #tpu.memory_space<vmem>>) semaphore(%arg16 : memref<!tpu.dma_semaphore, #tpu.memory_space<semaphore_mem>>)
    %dma_start3A_24 = arith.constant 3 : i32
    %dma_start3A_25 = arith.constant 384 : i32
    %dma_start3A_26 = tpu.memref_slice %arg12[%dma_start3A_25] : memref<512xf32, #tpu.memory_space<vmem>> -> memref<128xf32, #tpu.memory_space<vmem>>
    %dma_start3A_27 = arith.constant 0 : i32
    %dma_start3A_28 = tpu.memref_slice %arg11[%dma_start3A_24, %dma_start3A_27] : memref<4x128xi32, #tpu.memory_space<vmem>> -> memref<1x128xi32, #tpu.memory_space<vmem>>
    %dma_start3A_29 = tpu.memref_squeeze %dma_start3A_28 : memref<1x128xi32, #tpu.memory_space<vmem>> -> memref<128xi32, #tpu.memory_space<vmem>>
    %dma_start3A_30 = arith.constant 0 : i32
    %dma_start3A_31 = tpu.memref_slice %arg2[%dma_start3A_30] : memref<65536xf32, #tpu.memory_space<hbm>> -> memref<65536xf32, #tpu.memory_space<hbm>>
    tpu.enqueue_indirect_dma source(%dma_start3A_31 : memref<65536xf32, #tpu.memory_space<hbm>>) target(%dma_start3A_26 : memref<128xf32, #tpu.memory_space<vmem>>) offsets(%dma_start3A_29 : memref<128xi32, #tpu.memory_space<vmem>>) semaphore(%arg16 : memref<!tpu.dma_semaphore, #tpu.memory_space<semaphore_mem>>)
    %dma_start3A_32 = arith.constant 0 : i32
    %dma_start3A_33 = arith.constant 0 : i32
    %dma_start3A_34 = tpu.memref_slice %arg13[%dma_start3A_33] : memref<512xf32, #tpu.memory_space<vmem>> -> memref<128xf32, #tpu.memory_space<vmem>>
    %dma_start3A_35 = arith.constant 0 : i32
    %dma_start3A_36 = tpu.memref_slice %arg11[%dma_start3A_32, %dma_start3A_35] : memref<4x128xi32, #tpu.memory_space<vmem>> -> memref<1x128xi32, #tpu.memory_space<vmem>>
    %dma_start3A_37 = tpu.memref_squeeze %dma_start3A_36 : memref<1x128xi32, #tpu.memory_space<vmem>> -> memref<128xi32, #tpu.memory_space<vmem>>
    %dma_start3A_38 = arith.constant 0 : i32
    %dma_start3A_39 = tpu.memref_slice %arg3[%dma_start3A_38] : memref<65536xf32, #tpu.memory_space<hbm>> -> memref<65536xf32, #tpu.memory_space<hbm>>
    tpu.enqueue_indirect_dma source(%dma_start3A_39 : memref<65536xf32, #tpu.memory_space<hbm>>) target(%dma_start3A_34 : memref<128xf32, #tpu.memory_space<vmem>>) offsets(%dma_start3A_37 : memref<128xi32, #tpu.memory_space<vmem>>) semaphore(%arg16 : memref<!tpu.dma_semaphore, #tpu.memory_space<semaphore_mem>>)
    %dma_start3A_40 = arith.constant 1 : i32
    %dma_start3A_41 = arith.constant 128 : i32
    %dma_start3A_42 = tpu.memref_slice %arg13[%dma_start3A_41] : memref<512xf32, #tpu.memory_space<vmem>> -> memref<128xf32, #tpu.memory_space<vmem>>
    %dma_start3A_43 = arith.constant 0 : i32
    %dma_start3A_44 = tpu.memref_slice %arg11[%dma_start3A_40, %dma_start3A_43] : memref<4x128xi32, #tpu.memory_space<vmem>> -> memref<1x128xi32, #tpu.memory_space<vmem>>
    %dma_start3A_45 = tpu.memref_squeeze %dma_start3A_44 : memref<1x128xi32, #tpu.memory_space<vmem>> -> memref<128xi32, #tpu.memory_space<vmem>>
    %dma_start3A_46 = arith.constant 0 : i32
    %dma_start3A_47 = tpu.memref_slice %arg3[%dma_start3A_46] : memref<65536xf32, #tpu.memory_space<hbm>> -> memref<65536xf32, #tpu.memory_space<hbm>>
    tpu.enqueue_indirect_dma source(%dma_start3A_47 : memref<65536xf32, #tpu.memory_space<hbm>>) target(%dma_start3A_42 : memref<128xf32, #tpu.memory_space<vmem>>) offsets(%dma_start3A_45 : memref<128xi32, #tpu.memory_space<vmem>>) semaphore(%arg16 : memref<!tpu.dma_semaphore, #tpu.memory_space<semaphore_mem>>)
    %dma_start3A_48 = arith.constant 2 : i32
    %dma_start3A_49 = arith.constant 256 : i32
    %dma_start3A_50 = tpu.memref_slice %arg13[%dma_start3A_49] : memref<512xf32, #tpu.memory_space<vmem>> -> memref<128xf32, #tpu.memory_space<vmem>>
    %dma_start3A_51 = arith.constant 0 : i32
    %dma_start3A_52 = tpu.memref_slice %arg11[%dma_start3A_48, %dma_start3A_51] : memref<4x128xi32, #tpu.memory_space<vmem>> -> memref<1x128xi32, #tpu.memory_space<vmem>>
    %dma_start3A_53 = tpu.memref_squeeze %dma_start3A_52 : memref<1x128xi32, #tpu.memory_space<vmem>> -> memref<128xi32, #tpu.memory_space<vmem>>
    %dma_start3A_54 = arith.constant 0 : i32
    %dma_start3A_55 = tpu.memref_slice %arg3[%dma_start3A_54] : memref<65536xf32, #tpu.memory_space<hbm>> -> memref<65536xf32, #tpu.memory_space<hbm>>
    tpu.enqueue_indirect_dma source(%dma_start3A_55 : memref<65536xf32, #tpu.memory_space<hbm>>) target(%dma_start3A_50 : memref<128xf32, #tpu.memory_space<vmem>>) offsets(%dma_start3A_53 : memref<128xi32, #tpu.memory_space<vmem>>) semaphore(%arg16 : memref<!tpu.dma_semaphore, #tpu.memory_space<semaphore_mem>>)
    %dma_start3A_56 = arith.constant 3 : i32
    %dma_start3A_57 = arith.constant 384 : i32
    %dma_start3A_58 = tpu.memref_slice %arg13[%dma_start3A_57] : memref<512xf32, #tpu.memory_space<vmem>> -> memref<128xf32, #tpu.memory_space<vmem>>
    %dma_start3A_59 = arith.constant 0 : i32
    %dma_start3A_60 = tpu.memref_slice %arg11[%dma_start3A_56, %dma_start3A_59] : memref<4x128xi32, #tpu.memory_space<vmem>> -> memref<1x128xi32, #tpu.memory_space<vmem>>
    %dma_start3A_61 = tpu.memref_squeeze %dma_start3A_60 : memref<1x128xi32, #tpu.memory_space<vmem>> -> memref<128xi32, #tpu.memory_space<vmem>>
    %dma_start3A_62 = arith.constant 0 : i32
    %dma_start3A_63 = tpu.memref_slice %arg3[%dma_start3A_62] : memref<65536xf32, #tpu.memory_space<hbm>> -> memref<65536xf32, #tpu.memory_space<hbm>>
    tpu.enqueue_indirect_dma source(%dma_start3A_63 : memref<65536xf32, #tpu.memory_space<hbm>>) target(%dma_start3A_58 : memref<128xf32, #tpu.memory_space<vmem>>) offsets(%dma_start3A_61 : memref<128xi32, #tpu.memory_space<vmem>>) semaphore(%arg16 : memref<!tpu.dma_semaphore, #tpu.memory_space<semaphore_mem>>)
    %dma_start3A_64 = arith.constant 0 : i32
    %dma_start3A_65 = arith.constant 0 : i32
    %dma_start3A_66 = tpu.memref_slice %arg14[%dma_start3A_65] : memref<512xf32, #tpu.memory_space<vmem>> -> memref<128xf32, #tpu.memory_space<vmem>>
    %dma_start3A_67 = arith.constant 0 : i32
    %dma_start3A_68 = tpu.memref_slice %arg11[%dma_start3A_64, %dma_start3A_67] : memref<4x128xi32, #tpu.memory_space<vmem>> -> memref<1x128xi32, #tpu.memory_space<vmem>>
    %dma_start3A_69 = tpu.memref_squeeze %dma_start3A_68 : memref<1x128xi32, #tpu.memory_space<vmem>> -> memref<128xi32, #tpu.memory_space<vmem>>
    %dma_start3A_70 = arith.constant 0 : i32
    %dma_start3A_71 = tpu.memref_slice %arg4[%dma_start3A_70] : memref<65536xf32, #tpu.memory_space<hbm>> -> memref<65536xf32, #tpu.memory_space<hbm>>
    tpu.enqueue_indirect_dma source(%dma_start3A_71 : memref<65536xf32, #tpu.memory_space<hbm>>) target(%dma_start3A_66 : memref<128xf32, #tpu.memory_space<vmem>>) offsets(%dma_start3A_69 : memref<128xi32, #tpu.memory_space<vmem>>) semaphore(%arg16 : memref<!tpu.dma_semaphore, #tpu.memory_space<semaphore_mem>>)
    %dma_start3A_72 = arith.constant 1 : i32
    %dma_start3A_73 = arith.constant 128 : i32
    %dma_start3A_74 = tpu.memref_slice %arg14[%dma_start3A_73] : memref<512xf32, #tpu.memory_space<vmem>> -> memref<128xf32, #tpu.memory_space<vmem>>
    %dma_start3A_75 = arith.constant 0 : i32
    %dma_start3A_76 = tpu.memref_slice %arg11[%dma_start3A_72, %dma_start3A_75] : memref<4x128xi32, #tpu.memory_space<vmem>> -> memref<1x128xi32, #tpu.memory_space<vmem>>
    %dma_start3A_77 = tpu.memref_squeeze %dma_start3A_76 : memref<1x128xi32, #tpu.memory_space<vmem>> -> memref<128xi32, #tpu.memory_space<vmem>>
    %dma_start3A_78 = arith.constant 0 : i32
    %dma_start3A_79 = tpu.memref_slice %arg4[%dma_start3A_78] : memref<65536xf32, #tpu.memory_space<hbm>> -> memref<65536xf32, #tpu.memory_space<hbm>>
    tpu.enqueue_indirect_dma source(%dma_start3A_79 : memref<65536xf32, #tpu.memory_space<hbm>>) target(%dma_start3A_74 : memref<128xf32, #tpu.memory_space<vmem>>) offsets(%dma_start3A_77 : memref<128xi32, #tpu.memory_space<vmem>>) semaphore(%arg16 : memref<!tpu.dma_semaphore, #tpu.memory_space<semaphore_mem>>)
    %dma_start3A_80 = arith.constant 2 : i32
    %dma_start3A_81 = arith.constant 256 : i32
    %dma_start3A_82 = tpu.memref_slice %arg14[%dma_start3A_81] : memref<512xf32, #tpu.memory_space<vmem>> -> memref<128xf32, #tpu.memory_space<vmem>>
    %dma_start3A_83 = arith.constant 0 : i32
    %dma_start3A_84 = tpu.memref_slice %arg11[%dma_start3A_80, %dma_start3A_83] : memref<4x128xi32, #tpu.memory_space<vmem>> -> memref<1x128xi32, #tpu.memory_space<vmem>>
    %dma_start3A_85 = tpu.memref_squeeze %dma_start3A_84 : memref<1x128xi32, #tpu.memory_space<vmem>> -> memref<128xi32, #tpu.memory_space<vmem>>
    %dma_start3A_86 = arith.constant 0 : i32
    %dma_start3A_87 = tpu.memref_slice %arg4[%dma_start3A_86] : memref<65536xf32, #tpu.memory_space<hbm>> -> memref<65536xf32, #tpu.memory_space<hbm>>
    tpu.enqueue_indirect_dma source(%dma_start3A_87 : memref<65536xf32, #tpu.memory_space<hbm>>) target(%dma_start3A_82 : memref<128xf32, #tpu.memory_space<vmem>>) offsets(%dma_start3A_85 : memref<128xi32, #tpu.memory_space<vmem>>) semaphore(%arg16 : memref<!tpu.dma_semaphore, #tpu.memory_space<semaphore_mem>>)
    %dma_start3A_88 = arith.constant 3 : i32
    %dma_start3A_89 = arith.constant 384 : i32
    %dma_start3A_90 = tpu.memref_slice %arg14[%dma_start3A_89] : memref<512xf32, #tpu.memory_space<vmem>> -> memref<128xf32, #tpu.memory_space<vmem>>
    %dma_start3A_91 = arith.constant 0 : i32
    %dma_start3A_92 = tpu.memref_slice %arg11[%dma_start3A_88, %dma_start3A_91] : memref<4x128xi32, #tpu.memory_space<vmem>> -> memref<1x128xi32, #tpu.memory_space<vmem>>
    %dma_start3A_93 = tpu.memref_squeeze %dma_start3A_92 : memref<1x128xi32, #tpu.memory_space<vmem>> -> memref<128xi32, #tpu.memory_space<vmem>>
    %dma_start3A_94 = arith.constant 0 : i32
    %dma_start3A_95 = tpu.memref_slice %arg4[%dma_start3A_94] : memref<65536xf32, #tpu.memory_space<hbm>> -> memref<65536xf32, #tpu.memory_space<hbm>>
    tpu.enqueue_indirect_dma source(%dma_start3A_95 : memref<65536xf32, #tpu.memory_space<hbm>>) target(%dma_start3A_90 : memref<128xf32, #tpu.memory_space<vmem>>) offsets(%dma_start3A_93 : memref<128xi32, #tpu.memory_space<vmem>>) semaphore(%arg16 : memref<!tpu.dma_semaphore, #tpu.memory_space<semaphore_mem>>)
    %dma_start3A_96 = arith.constant 0 : i32
    %dma_start3A_97 = arith.constant 0 : i32
    %dma_start3A_98 = tpu.memref_slice %arg15[%dma_start3A_97] : memref<512xf32, #tpu.memory_space<vmem>> -> memref<128xf32, #tpu.memory_space<vmem>>
    %dma_start3A_99 = arith.constant 0 : i32
    %dma_start3A_100 = tpu.memref_slice %arg11[%dma_start3A_96, %dma_start3A_99] : memref<4x128xi32, #tpu.memory_space<vmem>> -> memref<1x128xi32, #tpu.memory_space<vmem>>
    %dma_start3A_101 = tpu.memref_squeeze %dma_start3A_100 : memref<1x128xi32, #tpu.memory_space<vmem>> -> memref<128xi32, #tpu.memory_space<vmem>>
    %dma_start3A_102 = arith.constant 0 : i32
    %dma_start3A_103 = tpu.memref_slice %arg5[%dma_start3A_102] : memref<65536xf32, #tpu.memory_space<hbm>> -> memref<65536xf32, #tpu.memory_space<hbm>>
    tpu.enqueue_indirect_dma source(%dma_start3A_103 : memref<65536xf32, #tpu.memory_space<hbm>>) target(%dma_start3A_98 : memref<128xf32, #tpu.memory_space<vmem>>) offsets(%dma_start3A_101 : memref<128xi32, #tpu.memory_space<vmem>>) semaphore(%arg16 : memref<!tpu.dma_semaphore, #tpu.memory_space<semaphore_mem>>)
    %dma_start3A_104 = arith.constant 1 : i32
    %dma_start3A_105 = arith.constant 128 : i32
    %dma_start3A_106 = tpu.memref_slice %arg15[%dma_start3A_105] : memref<512xf32, #tpu.memory_space<vmem>> -> memref<128xf32, #tpu.memory_space<vmem>>
    %dma_start3A_107 = arith.constant 0 : i32
    %dma_start3A_108 = tpu.memref_slice %arg11[%dma_start3A_104, %dma_start3A_107] : memref<4x128xi32, #tpu.memory_space<vmem>> -> memref<1x128xi32, #tpu.memory_space<vmem>>
    %dma_start3A_109 = tpu.memref_squeeze %dma_start3A_108 : memref<1x128xi32, #tpu.memory_space<vmem>> -> memref<128xi32, #tpu.memory_space<vmem>>
    %dma_start3A_110 = arith.constant 0 : i32
    %dma_start3A_111 = tpu.memref_slice %arg5[%dma_start3A_110] : memref<65536xf32, #tpu.memory_space<hbm>> -> memref<65536xf32, #tpu.memory_space<hbm>>
    tpu.enqueue_indirect_dma source(%dma_start3A_111 : memref<65536xf32, #tpu.memory_space<hbm>>) target(%dma_start3A_106 : memref<128xf32, #tpu.memory_space<vmem>>) offsets(%dma_start3A_109 : memref<128xi32, #tpu.memory_space<vmem>>) semaphore(%arg16 : memref<!tpu.dma_semaphore, #tpu.memory_space<semaphore_mem>>)
    %dma_start3A_112 = arith.constant 2 : i32
    %dma_start3A_113 = arith.constant 256 : i32
    %dma_start3A_114 = tpu.memref_slice %arg15[%dma_start3A_113] : memref<512xf32, #tpu.memory_space<vmem>> -> memref<128xf32, #tpu.memory_space<vmem>>
    %dma_start3A_115 = arith.constant 0 : i32
    %dma_start3A_116 = tpu.memref_slice %arg11[%dma_start3A_112, %dma_start3A_115] : memref<4x128xi32, #tpu.memory_space<vmem>> -> memref<1x128xi32, #tpu.memory_space<vmem>>
    %dma_start3A_117 = tpu.memref_squeeze %dma_start3A_116 : memref<1x128xi32, #tpu.memory_space<vmem>> -> memref<128xi32, #tpu.memory_space<vmem>>
    %dma_start3A_118 = arith.constant 0 : i32
    %dma_start3A_119 = tpu.memref_slice %arg5[%dma_start3A_118] : memref<65536xf32, #tpu.memory_space<hbm>> -> memref<65536xf32, #tpu.memory_space<hbm>>
    tpu.enqueue_indirect_dma source(%dma_start3A_119 : memref<65536xf32, #tpu.memory_space<hbm>>) target(%dma_start3A_114 : memref<128xf32, #tpu.memory_space<vmem>>) offsets(%dma_start3A_117 : memref<128xi32, #tpu.memory_space<vmem>>) semaphore(%arg16 : memref<!tpu.dma_semaphore, #tpu.memory_space<semaphore_mem>>)
    %dma_start3A_120 = arith.constant 3 : i32
    %dma_start3A_121 = arith.constant 384 : i32
    %dma_start3A_122 = tpu.memref_slice %arg15[%dma_start3A_121] : memref<512xf32, #tpu.memory_space<vmem>> -> memref<128xf32, #tpu.memory_space<vmem>>
    %dma_start3A_123 = arith.constant 0 : i32
    %dma_start3A_124 = tpu.memref_slice %arg11[%dma_start3A_120, %dma_start3A_123] : memref<4x128xi32, #tpu.memory_space<vmem>> -> memref<1x128xi32, #tpu.memory_space<vmem>>
    %dma_start3A_125 = tpu.memref_squeeze %dma_start3A_124 : memref<1x128xi32, #tpu.memory_space<vmem>> -> memref<128xi32, #tpu.memory_space<vmem>>
    %dma_start3A_126 = arith.constant 0 : i32
    %dma_start3A_127 = tpu.memref_slice %arg5[%dma_start3A_126] : memref<65536xf32, #tpu.memory_space<hbm>> -> memref<65536xf32, #tpu.memory_space<hbm>>
    tpu.enqueue_indirect_dma source(%dma_start3A_127 : memref<65536xf32, #tpu.memory_space<hbm>>) target(%dma_start3A_122 : memref<128xf32, #tpu.memory_space<vmem>>) offsets(%dma_start3A_125 : memref<128xi32, #tpu.memory_space<vmem>>) semaphore(%arg16 : memref<!tpu.dma_semaphore, #tpu.memory_space<semaphore_mem>>)
    %dma_wait3A = arith.constant 0 : i32
    %dma_wait3A_128 = arith.constant 0 : i32
    %dma_wait3A_129 = tpu.memref_slice %arg12[%dma_wait3A_128] : memref<512xf32, #tpu.memory_space<vmem>> -> memref<128xf32, #tpu.memory_space<vmem>>
    %dma_wait3A_130 = arith.constant 0 : i32
    %dma_wait3A_131 = tpu.memref_slice %arg11[%dma_wait3A, %dma_wait3A_130] : memref<4x128xi32, #tpu.memory_space<vmem>> -> memref<1x128xi32, #tpu.memory_space<vmem>>
    %dma_wait3A_132 = tpu.memref_squeeze %dma_wait3A_131 : memref<1x128xi32, #tpu.memory_space<vmem>> -> memref<128xi32, #tpu.memory_space<vmem>>
    %dma_wait3A_133 = arith.constant 0 : i32
    %dma_wait3A_134 = tpu.memref_slice %arg2[%dma_wait3A_133] : memref<65536xf32, #tpu.memory_space<hbm>> -> memref<65536xf32, #tpu.memory_space<hbm>>
    tpu.wait_indirect_dma semaphore(%arg16 : memref<!tpu.dma_semaphore, #tpu.memory_space<semaphore_mem>>) src(%dma_wait3A_134 : memref<65536xf32, #tpu.memory_space<hbm>>) dst(%dma_wait3A_129 : memref<128xf32, #tpu.memory_space<vmem>>)
    %dma_wait3A_135 = arith.constant 1 : i32
    %dma_wait3A_136 = arith.constant 128 : i32
    %dma_wait3A_137 = tpu.memref_slice %arg12[%dma_wait3A_136] : memref<512xf32, #tpu.memory_space<vmem>> -> memref<128xf32, #tpu.memory_space<vmem>>
    %dma_wait3A_138 = arith.constant 0 : i32
    %dma_wait3A_139 = tpu.memref_slice %arg11[%dma_wait3A_135, %dma_wait3A_138] : memref<4x128xi32, #tpu.memory_space<vmem>> -> memref<1x128xi32, #tpu.memory_space<vmem>>
    %dma_wait3A_140 = tpu.memref_squeeze %dma_wait3A_139 : memref<1x128xi32, #tpu.memory_space<vmem>> -> memref<128xi32, #tpu.memory_space<vmem>>
    %dma_wait3A_141 = arith.constant 0 : i32
    %dma_wait3A_142 = tpu.memref_slice %arg2[%dma_wait3A_141] : memref<65536xf32, #tpu.memory_space<hbm>> -> memref<65536xf32, #tpu.memory_space<hbm>>
    tpu.wait_indirect_dma semaphore(%arg16 : memref<!tpu.dma_semaphore, #tpu.memory_space<semaphore_mem>>) src(%dma_wait3A_142 : memref<65536xf32, #tpu.memory_space<hbm>>) dst(%dma_wait3A_137 : memref<128xf32, #tpu.memory_space<vmem>>)
    %dma_wait3A_143 = arith.constant 2 : i32
    %dma_wait3A_144 = arith.constant 256 : i32
    %dma_wait3A_145 = tpu.memref_slice %arg12[%dma_wait3A_144] : memref<512xf32, #tpu.memory_space<vmem>> -> memref<128xf32, #tpu.memory_space<vmem>>
    %dma_wait3A_146 = arith.constant 0 : i32
    %dma_wait3A_147 = tpu.memref_slice %arg11[%dma_wait3A_143, %dma_wait3A_146] : memref<4x128xi32, #tpu.memory_space<vmem>> -> memref<1x128xi32, #tpu.memory_space<vmem>>
    %dma_wait3A_148 = tpu.memref_squeeze %dma_wait3A_147 : memref<1x128xi32, #tpu.memory_space<vmem>> -> memref<128xi32, #tpu.memory_space<vmem>>
    %dma_wait3A_149 = arith.constant 0 : i32
    %dma_wait3A_150 = tpu.memref_slice %arg2[%dma_wait3A_149] : memref<65536xf32, #tpu.memory_space<hbm>> -> memref<65536xf32, #tpu.memory_space<hbm>>
    tpu.wait_indirect_dma semaphore(%arg16 : memref<!tpu.dma_semaphore, #tpu.memory_space<semaphore_mem>>) src(%dma_wait3A_150 : memref<65536xf32, #tpu.memory_space<hbm>>) dst(%dma_wait3A_145 : memref<128xf32, #tpu.memory_space<vmem>>)
    %dma_wait3A_151 = arith.constant 3 : i32
    %dma_wait3A_152 = arith.constant 384 : i32
    %dma_wait3A_153 = tpu.memref_slice %arg12[%dma_wait3A_152] : memref<512xf32, #tpu.memory_space<vmem>> -> memref<128xf32, #tpu.memory_space<vmem>>
    %dma_wait3A_154 = arith.constant 0 : i32
    %dma_wait3A_155 = tpu.memref_slice %arg11[%dma_wait3A_151, %dma_wait3A_154] : memref<4x128xi32, #tpu.memory_space<vmem>> -> memref<1x128xi32, #tpu.memory_space<vmem>>
    %dma_wait3A_156 = tpu.memref_squeeze %dma_wait3A_155 : memref<1x128xi32, #tpu.memory_space<vmem>> -> memref<128xi32, #tpu.memory_space<vmem>>
    %dma_wait3A_157 = arith.constant 0 : i32
    %dma_wait3A_158 = tpu.memref_slice %arg2[%dma_wait3A_157] : memref<65536xf32, #tpu.memory_space<hbm>> -> memref<65536xf32, #tpu.memory_space<hbm>>
    tpu.wait_indirect_dma semaphore(%arg16 : memref<!tpu.dma_semaphore, #tpu.memory_space<semaphore_mem>>) src(%dma_wait3A_158 : memref<65536xf32, #tpu.memory_space<hbm>>) dst(%dma_wait3A_153 : memref<128xf32, #tpu.memory_space<vmem>>)
    %mul3A_159 = arith.constant 512 : i32
    %mul3A_160 = arith.muli %add3A, %mul3A_159 : i32
    %dma_start3A_161 = tpu.memref_slice %arg7[%mul3A_160] : memref<16384xf32, #tpu.memory_space<hbm>> -> memref<512xf32, #tpu.memory_space<hbm>>
    %dma_start3A_162 = tpu.memref_slice %arg7[%mul3A_160] : memref<16384xf32, #tpu.memory_space<hbm>> -> memref<512xf32, #tpu.memory_space<hbm>>
    tpu.enqueue_dma source(%arg12 : memref<512xf32, #tpu.memory_space<vmem>>) target(%dma_start3A_162 : memref<512xf32, #tpu.memory_space<hbm>>) target_semaphore(%arg17 : memref<!tpu.dma_semaphore, #tpu.memory_space<semaphore_mem>>)
    %dma_wait3A_163 = arith.constant 0 : i32
    %dma_wait3A_164 = arith.constant 0 : i32
    %dma_wait3A_165 = tpu.memref_slice %arg13[%dma_wait3A_164] : memref<512xf32, #tpu.memory_space<vmem>> -> memref<128xf32, #tpu.memory_space<vmem>>
    %dma_wait3A_166 = arith.constant 0 : i32
    %dma_wait3A_167 = tpu.memref_slice %arg11[%dma_wait3A_163, %dma_wait3A_166] : memref<4x128xi32, #tpu.memory_space<vmem>> -> memref<1x128xi32, #tpu.memory_space<vmem>>
    %dma_wait3A_168 = tpu.memref_squeeze %dma_wait3A_167 : memref<1x128xi32, #tpu.memory_space<vmem>> -> memref<128xi32, #tpu.memory_space<vmem>>
    %dma_wait3A_169 = arith.constant 0 : i32
    %dma_wait3A_170 = tpu.memref_slice %arg3[%dma_wait3A_169] : memref<65536xf32, #tpu.memory_space<hbm>> -> memref<65536xf32, #tpu.memory_space<hbm>>
    tpu.wait_indirect_dma semaphore(%arg16 : memref<!tpu.dma_semaphore, #tpu.memory_space<semaphore_mem>>) src(%dma_wait3A_170 : memref<65536xf32, #tpu.memory_space<hbm>>) dst(%dma_wait3A_165 : memref<128xf32, #tpu.memory_space<vmem>>)
    %dma_wait3A_171 = arith.constant 1 : i32
    %dma_wait3A_172 = arith.constant 128 : i32
    %dma_wait3A_173 = tpu.memref_slice %arg13[%dma_wait3A_172] : memref<512xf32, #tpu.memory_space<vmem>> -> memref<128xf32, #tpu.memory_space<vmem>>
    %dma_wait3A_174 = arith.constant 0 : i32
    %dma_wait3A_175 = tpu.memref_slice %arg11[%dma_wait3A_171, %dma_wait3A_174] : memref<4x128xi32, #tpu.memory_space<vmem>> -> memref<1x128xi32, #tpu.memory_space<vmem>>
    %dma_wait3A_176 = tpu.memref_squeeze %dma_wait3A_175 : memref<1x128xi32, #tpu.memory_space<vmem>> -> memref<128xi32, #tpu.memory_space<vmem>>
    %dma_wait3A_177 = arith.constant 0 : i32
    %dma_wait3A_178 = tpu.memref_slice %arg3[%dma_wait3A_177] : memref<65536xf32, #tpu.memory_space<hbm>> -> memref<65536xf32, #tpu.memory_space<hbm>>
    tpu.wait_indirect_dma semaphore(%arg16 : memref<!tpu.dma_semaphore, #tpu.memory_space<semaphore_mem>>) src(%dma_wait3A_178 : memref<65536xf32, #tpu.memory_space<hbm>>) dst(%dma_wait3A_173 : memref<128xf32, #tpu.memory_space<vmem>>)
    %dma_wait3A_179 = arith.constant 2 : i32
    %dma_wait3A_180 = arith.constant 256 : i32
    %dma_wait3A_181 = tpu.memref_slice %arg13[%dma_wait3A_180] : memref<512xf32, #tpu.memory_space<vmem>> -> memref<128xf32, #tpu.memory_space<vmem>>
    %dma_wait3A_182 = arith.constant 0 : i32
    %dma_wait3A_183 = tpu.memref_slice %arg11[%dma_wait3A_179, %dma_wait3A_182] : memref<4x128xi32, #tpu.memory_space<vmem>> -> memref<1x128xi32, #tpu.memory_space<vmem>>
    %dma_wait3A_184 = tpu.memref_squeeze %dma_wait3A_183 : memref<1x128xi32, #tpu.memory_space<vmem>> -> memref<128xi32, #tpu.memory_space<vmem>>
    %dma_wait3A_185 = arith.constant 0 : i32
    %dma_wait3A_186 = tpu.memref_slice %arg3[%dma_wait3A_185] : memref<65536xf32, #tpu.memory_space<hbm>> -> memref<65536xf32, #tpu.memory_space<hbm>>
    tpu.wait_indirect_dma semaphore(%arg16 : memref<!tpu.dma_semaphore, #tpu.memory_space<semaphore_mem>>) src(%dma_wait3A_186 : memref<65536xf32, #tpu.memory_space<hbm>>) dst(%dma_wait3A_181 : memref<128xf32, #tpu.memory_space<vmem>>)
    %dma_wait3A_187 = arith.constant 3 : i32
    %dma_wait3A_188 = arith.constant 384 : i32
    %dma_wait3A_189 = tpu.memref_slice %arg13[%dma_wait3A_188] : memref<512xf32, #tpu.memory_space<vmem>> -> memref<128xf32, #tpu.memory_space<vmem>>
    %dma_wait3A_190 = arith.constant 0 : i32
    %dma_wait3A_191 = tpu.memref_slice %arg11[%dma_wait3A_187, %dma_wait3A_190] : memref<4x128xi32, #tpu.memory_space<vmem>> -> memref<1x128xi32, #tpu.memory_space<vmem>>
    %dma_wait3A_192 = tpu.memref_squeeze %dma_wait3A_191 : memref<1x128xi32, #tpu.memory_space<vmem>> -> memref<128xi32, #tpu.memory_space<vmem>>
    %dma_wait3A_193 = arith.constant 0 : i32
    %dma_wait3A_194 = tpu.memref_slice %arg3[%dma_wait3A_193] : memref<65536xf32, #tpu.memory_space<hbm>> -> memref<65536xf32, #tpu.memory_space<hbm>>
    tpu.wait_indirect_dma semaphore(%arg16 : memref<!tpu.dma_semaphore, #tpu.memory_space<semaphore_mem>>) src(%dma_wait3A_194 : memref<65536xf32, #tpu.memory_space<hbm>>) dst(%dma_wait3A_189 : memref<128xf32, #tpu.memory_space<vmem>>)
    %mul3A_195 = arith.constant 512 : i32
    %mul3A_196 = arith.muli %add3A, %mul3A_195 : i32
    %dma_start3A_197 = tpu.memref_slice %arg8[%mul3A_196] : memref<16384xf32, #tpu.memory_space<hbm>> -> memref<512xf32, #tpu.memory_space<hbm>>
    %dma_start3A_198 = tpu.memref_slice %arg8[%mul3A_196] : memref<16384xf32, #tpu.memory_space<hbm>> -> memref<512xf32, #tpu.memory_space<hbm>>
    tpu.enqueue_dma source(%arg13 : memref<512xf32, #tpu.memory_space<vmem>>) target(%dma_start3A_198 : memref<512xf32, #tpu.memory_space<hbm>>) target_semaphore(%arg17 : memref<!tpu.dma_semaphore, #tpu.memory_space<semaphore_mem>>)
    %dma_wait3A_199 = arith.constant 0 : i32
    %dma_wait3A_200 = arith.constant 0 : i32
    %dma_wait3A_201 = tpu.memref_slice %arg14[%dma_wait3A_200] : memref<512xf32, #tpu.memory_space<vmem>> -> memref<128xf32, #tpu.memory_space<vmem>>
    %dma_wait3A_202 = arith.constant 0 : i32
    %dma_wait3A_203 = tpu.memref_slice %arg11[%dma_wait3A_199, %dma_wait3A_202] : memref<4x128xi32, #tpu.memory_space<vmem>> -> memref<1x128xi32, #tpu.memory_space<vmem>>
    %dma_wait3A_204 = tpu.memref_squeeze %dma_wait3A_203 : memref<1x128xi32, #tpu.memory_space<vmem>> -> memref<128xi32, #tpu.memory_space<vmem>>
    %dma_wait3A_205 = arith.constant 0 : i32
    %dma_wait3A_206 = tpu.memref_slice %arg4[%dma_wait3A_205] : memref<65536xf32, #tpu.memory_space<hbm>> -> memref<65536xf32, #tpu.memory_space<hbm>>
    tpu.wait_indirect_dma semaphore(%arg16 : memref<!tpu.dma_semaphore, #tpu.memory_space<semaphore_mem>>) src(%dma_wait3A_206 : memref<65536xf32, #tpu.memory_space<hbm>>) dst(%dma_wait3A_201 : memref<128xf32, #tpu.memory_space<vmem>>)
    %dma_wait3A_207 = arith.constant 1 : i32
    %dma_wait3A_208 = arith.constant 128 : i32
    %dma_wait3A_209 = tpu.memref_slice %arg14[%dma_wait3A_208] : memref<512xf32, #tpu.memory_space<vmem>> -> memref<128xf32, #tpu.memory_space<vmem>>
    %dma_wait3A_210 = arith.constant 0 : i32
    %dma_wait3A_211 = tpu.memref_slice %arg11[%dma_wait3A_207, %dma_wait3A_210] : memref<4x128xi32, #tpu.memory_space<vmem>> -> memref<1x128xi32, #tpu.memory_space<vmem>>
    %dma_wait3A_212 = tpu.memref_squeeze %dma_wait3A_211 : memref<1x128xi32, #tpu.memory_space<vmem>> -> memref<128xi32, #tpu.memory_space<vmem>>
    %dma_wait3A_213 = arith.constant 0 : i32
    %dma_wait3A_214 = tpu.memref_slice %arg4[%dma_wait3A_213] : memref<65536xf32, #tpu.memory_space<hbm>> -> memref<65536xf32, #tpu.memory_space<hbm>>
    tpu.wait_indirect_dma semaphore(%arg16 : memref<!tpu.dma_semaphore, #tpu.memory_space<semaphore_mem>>) src(%dma_wait3A_214 : memref<65536xf32, #tpu.memory_space<hbm>>) dst(%dma_wait3A_209 : memref<128xf32, #tpu.memory_space<vmem>>)
    %dma_wait3A_215 = arith.constant 2 : i32
    %dma_wait3A_216 = arith.constant 256 : i32
    %dma_wait3A_217 = tpu.memref_slice %arg14[%dma_wait3A_216] : memref<512xf32, #tpu.memory_space<vmem>> -> memref<128xf32, #tpu.memory_space<vmem>>
    %dma_wait3A_218 = arith.constant 0 : i32
    %dma_wait3A_219 = tpu.memref_slice %arg11[%dma_wait3A_215, %dma_wait3A_218] : memref<4x128xi32, #tpu.memory_space<vmem>> -> memref<1x128xi32, #tpu.memory_space<vmem>>
    %dma_wait3A_220 = tpu.memref_squeeze %dma_wait3A_219 : memref<1x128xi32, #tpu.memory_space<vmem>> -> memref<128xi32, #tpu.memory_space<vmem>>
    %dma_wait3A_221 = arith.constant 0 : i32
    %dma_wait3A_222 = tpu.memref_slice %arg4[%dma_wait3A_221] : memref<65536xf32, #tpu.memory_space<hbm>> -> memref<65536xf32, #tpu.memory_space<hbm>>
    tpu.wait_indirect_dma semaphore(%arg16 : memref<!tpu.dma_semaphore, #tpu.memory_space<semaphore_mem>>) src(%dma_wait3A_222 : memref<65536xf32, #tpu.memory_space<hbm>>) dst(%dma_wait3A_217 : memref<128xf32, #tpu.memory_space<vmem>>)
    %dma_wait3A_223 = arith.constant 3 : i32
    %dma_wait3A_224 = arith.constant 384 : i32
    %dma_wait3A_225 = tpu.memref_slice %arg14[%dma_wait3A_224] : memref<512xf32, #tpu.memory_space<vmem>> -> memref<128xf32, #tpu.memory_space<vmem>>
    %dma_wait3A_226 = arith.constant 0 : i32
    %dma_wait3A_227 = tpu.memref_slice %arg11[%dma_wait3A_223, %dma_wait3A_226] : memref<4x128xi32, #tpu.memory_space<vmem>> -> memref<1x128xi32, #tpu.memory_space<vmem>>
    %dma_wait3A_228 = tpu.memref_squeeze %dma_wait3A_227 : memref<1x128xi32, #tpu.memory_space<vmem>> -> memref<128xi32, #tpu.memory_space<vmem>>
    %dma_wait3A_229 = arith.constant 0 : i32
    %dma_wait3A_230 = tpu.memref_slice %arg4[%dma_wait3A_229] : memref<65536xf32, #tpu.memory_space<hbm>> -> memref<65536xf32, #tpu.memory_space<hbm>>
    tpu.wait_indirect_dma semaphore(%arg16 : memref<!tpu.dma_semaphore, #tpu.memory_space<semaphore_mem>>) src(%dma_wait3A_230 : memref<65536xf32, #tpu.memory_space<hbm>>) dst(%dma_wait3A_225 : memref<128xf32, #tpu.memory_space<vmem>>)
    %mul3A_231 = arith.constant 512 : i32
    %mul3A_232 = arith.muli %add3A, %mul3A_231 : i32
    %dma_start3A_233 = tpu.memref_slice %arg9[%mul3A_232] : memref<16384xf32, #tpu.memory_space<hbm>> -> memref<512xf32, #tpu.memory_space<hbm>>
    %dma_start3A_234 = tpu.memref_slice %arg9[%mul3A_232] : memref<16384xf32, #tpu.memory_space<hbm>> -> memref<512xf32, #tpu.memory_space<hbm>>
    tpu.enqueue_dma source(%arg14 : memref<512xf32, #tpu.memory_space<vmem>>) target(%dma_start3A_234 : memref<512xf32, #tpu.memory_space<hbm>>) target_semaphore(%arg17 : memref<!tpu.dma_semaphore, #tpu.memory_space<semaphore_mem>>)
    %dma_wait3A_235 = arith.constant 0 : i32
    %dma_wait3A_236 = arith.constant 0 : i32
    %dma_wait3A_237 = tpu.memref_slice %arg15[%dma_wait3A_236] : memref<512xf32, #tpu.memory_space<vmem>> -> memref<128xf32, #tpu.memory_space<vmem>>
    %dma_wait3A_238 = arith.constant 0 : i32
    %dma_wait3A_239 = tpu.memref_slice %arg11[%dma_wait3A_235, %dma_wait3A_238] : memref<4x128xi32, #tpu.memory_space<vmem>> -> memref<1x128xi32, #tpu.memory_space<vmem>>
    %dma_wait3A_240 = tpu.memref_squeeze %dma_wait3A_239 : memref<1x128xi32, #tpu.memory_space<vmem>> -> memref<128xi32, #tpu.memory_space<vmem>>
    %dma_wait3A_241 = arith.constant 0 : i32
    %dma_wait3A_242 = tpu.memref_slice %arg5[%dma_wait3A_241] : memref<65536xf32, #tpu.memory_space<hbm>> -> memref<65536xf32, #tpu.memory_space<hbm>>
    tpu.wait_indirect_dma semaphore(%arg16 : memref<!tpu.dma_semaphore, #tpu.memory_space<semaphore_mem>>) src(%dma_wait3A_242 : memref<65536xf32, #tpu.memory_space<hbm>>) dst(%dma_wait3A_237 : memref<128xf32, #tpu.memory_space<vmem>>)
    %dma_wait3A_243 = arith.constant 1 : i32
    %dma_wait3A_244 = arith.constant 128 : i32
    %dma_wait3A_245 = tpu.memref_slice %arg15[%dma_wait3A_244] : memref<512xf32, #tpu.memory_space<vmem>> -> memref<128xf32, #tpu.memory_space<vmem>>
    %dma_wait3A_246 = arith.constant 0 : i32
    %dma_wait3A_247 = tpu.memref_slice %arg11[%dma_wait3A_243, %dma_wait3A_246] : memref<4x128xi32, #tpu.memory_space<vmem>> -> memref<1x128xi32, #tpu.memory_space<vmem>>
    %dma_wait3A_248 = tpu.memref_squeeze %dma_wait3A_247 : memref<1x128xi32, #tpu.memory_space<vmem>> -> memref<128xi32, #tpu.memory_space<vmem>>
    %dma_wait3A_249 = arith.constant 0 : i32
    %dma_wait3A_250 = tpu.memref_slice %arg5[%dma_wait3A_249] : memref<65536xf32, #tpu.memory_space<hbm>> -> memref<65536xf32, #tpu.memory_space<hbm>>
    tpu.wait_indirect_dma semaphore(%arg16 : memref<!tpu.dma_semaphore, #tpu.memory_space<semaphore_mem>>) src(%dma_wait3A_250 : memref<65536xf32, #tpu.memory_space<hbm>>) dst(%dma_wait3A_245 : memref<128xf32, #tpu.memory_space<vmem>>)
    %dma_wait3A_251 = arith.constant 2 : i32
    %dma_wait3A_252 = arith.constant 256 : i32
    %dma_wait3A_253 = tpu.memref_slice %arg15[%dma_wait3A_252] : memref<512xf32, #tpu.memory_space<vmem>> -> memref<128xf32, #tpu.memory_space<vmem>>
    %dma_wait3A_254 = arith.constant 0 : i32
    %dma_wait3A_255 = tpu.memref_slice %arg11[%dma_wait3A_251, %dma_wait3A_254] : memref<4x128xi32, #tpu.memory_space<vmem>> -> memref<1x128xi32, #tpu.memory_space<vmem>>
    %dma_wait3A_256 = tpu.memref_squeeze %dma_wait3A_255 : memref<1x128xi32, #tpu.memory_space<vmem>> -> memref<128xi32, #tpu.memory_space<vmem>>
    %dma_wait3A_257 = arith.constant 0 : i32
    %dma_wait3A_258 = tpu.memref_slice %arg5[%dma_wait3A_257] : memref<65536xf32, #tpu.memory_space<hbm>> -> memref<65536xf32, #tpu.memory_space<hbm>>
    tpu.wait_indirect_dma semaphore(%arg16 : memref<!tpu.dma_semaphore, #tpu.memory_space<semaphore_mem>>) src(%dma_wait3A_258 : memref<65536xf32, #tpu.memory_space<hbm>>) dst(%dma_wait3A_253 : memref<128xf32, #tpu.memory_space<vmem>>)
    %dma_wait3A_259 = arith.constant 3 : i32
    %dma_wait3A_260 = arith.constant 384 : i32
    %dma_wait3A_261 = tpu.memref_slice %arg15[%dma_wait3A_260] : memref<512xf32, #tpu.memory_space<vmem>> -> memref<128xf32, #tpu.memory_space<vmem>>
    %dma_wait3A_262 = arith.constant 0 : i32
    %dma_wait3A_263 = tpu.memref_slice %arg11[%dma_wait3A_259, %dma_wait3A_262] : memref<4x128xi32, #tpu.memory_space<vmem>> -> memref<1x128xi32, #tpu.memory_space<vmem>>
    %dma_wait3A_264 = tpu.memref_squeeze %dma_wait3A_263 : memref<1x128xi32, #tpu.memory_space<vmem>> -> memref<128xi32, #tpu.memory_space<vmem>>
    %dma_wait3A_265 = arith.constant 0 : i32
    %dma_wait3A_266 = tpu.memref_slice %arg5[%dma_wait3A_265] : memref<65536xf32, #tpu.memory_space<hbm>> -> memref<65536xf32, #tpu.memory_space<hbm>>
    tpu.wait_indirect_dma semaphore(%arg16 : memref<!tpu.dma_semaphore, #tpu.memory_space<semaphore_mem>>) src(%dma_wait3A_266 : memref<65536xf32, #tpu.memory_space<hbm>>) dst(%dma_wait3A_261 : memref<128xf32, #tpu.memory_space<vmem>>)
    %mul3A_267 = arith.constant 512 : i32
    %mul3A_268 = arith.muli %add3A, %mul3A_267 : i32
    %dma_start3A_269 = tpu.memref_slice %arg10[%mul3A_268] : memref<16384xf32, #tpu.memory_space<hbm>> -> memref<512xf32, #tpu.memory_space<hbm>>
    %dma_start3A_270 = tpu.memref_slice %arg10[%mul3A_268] : memref<16384xf32, #tpu.memory_space<hbm>> -> memref<512xf32, #tpu.memory_space<hbm>>
    tpu.enqueue_dma source(%arg15 : memref<512xf32, #tpu.memory_space<vmem>>) target(%dma_start3A_270 : memref<512xf32, #tpu.memory_space<hbm>>) target_semaphore(%arg17 : memref<!tpu.dma_semaphore, #tpu.memory_space<semaphore_mem>>)
    %dma_wait3A_271 = tpu.memref_slice %arg7[%mul3A_160] : memref<16384xf32, #tpu.memory_space<hbm>> -> memref<512xf32, #tpu.memory_space<hbm>>
    %dma_wait3A_272 = tpu.memref_slice %arg7[%mul3A_160] : memref<16384xf32, #tpu.memory_space<hbm>> -> memref<512xf32, #tpu.memory_space<hbm>>
    tpu.wait_dma2 semaphore(%arg17 : memref<!tpu.dma_semaphore, #tpu.memory_space<semaphore_mem>>) src(%arg12 : memref<512xf32, #tpu.memory_space<vmem>>) dst(%dma_wait3A_272 : memref<512xf32, #tpu.memory_space<hbm>>)
    %dma_wait3A_273 = tpu.memref_slice %arg8[%mul3A_196] : memref<16384xf32, #tpu.memory_space<hbm>> -> memref<512xf32, #tpu.memory_space<hbm>>
    %dma_wait3A_274 = tpu.memref_slice %arg8[%mul3A_196] : memref<16384xf32, #tpu.memory_space<hbm>> -> memref<512xf32, #tpu.memory_space<hbm>>
    tpu.wait_dma2 semaphore(%arg17 : memref<!tpu.dma_semaphore, #tpu.memory_space<semaphore_mem>>) src(%arg13 : memref<512xf32, #tpu.memory_space<vmem>>) dst(%dma_wait3A_274 : memref<512xf32, #tpu.memory_space<hbm>>)
    %dma_wait3A_275 = tpu.memref_slice %arg9[%mul3A_232] : memref<16384xf32, #tpu.memory_space<hbm>> -> memref<512xf32, #tpu.memory_space<hbm>>
    %dma_wait3A_276 = tpu.memref_slice %arg9[%mul3A_232] : memref<16384xf32, #tpu.memory_space<hbm>> -> memref<512xf32, #tpu.memory_space<hbm>>
    tpu.wait_dma2 semaphore(%arg17 : memref<!tpu.dma_semaphore, #tpu.memory_space<semaphore_mem>>) src(%arg14 : memref<512xf32, #tpu.memory_space<vmem>>) dst(%dma_wait3A_276 : memref<512xf32, #tpu.memory_space<hbm>>)
    %dma_wait3A_277 = tpu.memref_slice %arg10[%mul3A_268] : memref<16384xf32, #tpu.memory_space<hbm>> -> memref<512xf32, #tpu.memory_space<hbm>>
    %dma_wait3A_278 = tpu.memref_slice %arg10[%mul3A_268] : memref<16384xf32, #tpu.memory_space<hbm>> -> memref<512xf32, #tpu.memory_space<hbm>>
    tpu.wait_dma2 semaphore(%arg17 : memref<!tpu.dma_semaphore, #tpu.memory_space<semaphore_mem>>) src(%arg15 : memref<512xf32, #tpu.memory_space<vmem>>) dst(%dma_wait3A_278 : memref<512xf32, #tpu.memory_space<hbm>>)
    return
  }
}

module attributes {stable_mosaic.version = 14 : i64} {
  func.func @_stage1_body(%arg0: memref<128x128xf32, #tpu.memory_space<vmem>>, %arg1: memref<128x128xf32, #tpu.memory_space<vmem>>, %arg2: memref<128x128xf32, #tpu.memory_space<vmem>>, %arg3: memref<128x128xf32, #tpu.memory_space<vmem>>, %arg4: memref<128x128xf32, #tpu.memory_space<vmem>>, %arg5: memref<128x128xf32, #tpu.memory_space<vmem>>, %arg6: memref<128x128xf32, #tpu.memory_space<vmem>>, %arg7: memref<128x128xf32, #tpu.memory_space<vmem>>, %arg8: memref<128x128xf32, #tpu.memory_space<vmem>>, %arg9: memref<128x128xf32, #tpu.memory_space<vmem>>, %arg10: memref<12x128x128xf32, #tpu.memory_space<vmem>>, %arg11: memref<12x128x128xf32, #tpu.memory_space<vmem>>, %arg12: memref<1x1xi32, #tpu.memory_space<smem>>, %arg13: memref<1x1xi32, #tpu.memory_space<smem>>, %arg14: memref<1x1xi32, #tpu.memory_space<smem>>) attributes {dimension_semantics = [], scalar_prefetch = 0 : i64, scratch_operands = 0 : i64, tpu.core_type = #tpu.core_type<tc>} {
    %get3A = arith.constant 0 : index
    %get3A_0 = arith.constant 0 : index
    %get3A_1 = vector.load %arg0[%get3A, %get3A_0] : memref<128x128xf32, #tpu.memory_space<vmem>>, vector<128x128xf32>
    %get3A_2 = arith.constant 0 : index
    %get3A_3 = arith.constant 0 : index
    %get3A_4 = vector.load %arg1[%get3A_2, %get3A_3] : memref<128x128xf32, #tpu.memory_space<vmem>>, vector<128x128xf32>
    %get3A_5 = arith.constant 0 : index
    %get3A_6 = arith.constant 0 : index
    %get3A_7 = vector.load %arg2[%get3A_5, %get3A_6] : memref<128x128xf32, #tpu.memory_space<vmem>>, vector<128x128xf32>
    %get3A_8 = arith.constant 0 : index
    %get3A_9 = arith.constant 0 : index
    %get3A_10 = vector.load %arg3[%get3A_8, %get3A_9] : memref<128x128xf32, #tpu.memory_space<vmem>>, vector<128x128xf32>
    %get3A_11 = arith.constant 0 : index
    %get3A_12 = arith.constant 0 : index
    %get3A_13 = vector.load %arg6[%get3A_11, %get3A_12] : memref<128x128xf32, #tpu.memory_space<vmem>>, vector<128x128xf32>
    %get3A_14 = arith.constant 0 : index
    %get3A_15 = arith.constant 0 : index
    %get3A_16 = vector.load %arg7[%get3A_14, %get3A_15] : memref<128x128xf32, #tpu.memory_space<vmem>>, vector<128x128xf32>
    %get3A_17 = arith.constant 0 : index
    %get3A_18 = arith.constant 0 : index
    %get3A_19 = vector.load %arg4[%get3A_17, %get3A_18] : memref<128x128xf32, #tpu.memory_space<vmem>>, vector<128x128xf32>
    %sub3A = arith.subf %get3A_19, %get3A_13 : vector<128x128xf32>
    %get3A_20 = arith.constant 0 : index
    %get3A_21 = arith.constant 0 : index
    %get3A_22 = vector.load %arg5[%get3A_20, %get3A_21] : memref<128x128xf32, #tpu.memory_space<vmem>>, vector<128x128xf32>
    %sub3A_23 = arith.subf %get3A_22, %get3A_16 : vector<128x128xf32>
    %mul3A = arith.mulf %sub3A, %sub3A : vector<128x128xf32>
    %mul3A_24 = arith.mulf %sub3A_23, %sub3A_23 : vector<128x128xf32>
    %add3A = arith.addf %mul3A, %mul3A_24 : vector<128x128xf32>
    %sqrt3A = math.sqrt %add3A : vector<128x128xf32>
    %swap3A = arith.constant 0 : index
    %swap3A_25 = arith.constant 0 : index
    %swap3A_26 = vector.load %arg8[%swap3A, %swap3A_25] : memref<128x128xf32, #tpu.memory_space<vmem>>, vector<128x128xf32>
    tpu.vector_store %arg8[%swap3A, %swap3A_25], %sqrt3A {strides = array<i32>} : memref<128x128xf32, #tpu.memory_space<vmem>>, vector<128x128xf32>,
    %mul3A_27 = arith.mulf %sqrt3A, %get3A_10 : vector<128x128xf32>
    %swap3A_28 = arith.constant 0 : index
    %swap3A_29 = arith.constant 0 : index
    %swap3A_30 = vector.load %arg9[%swap3A_28, %swap3A_29] : memref<128x128xf32, #tpu.memory_space<vmem>>, vector<128x128xf32>
    tpu.vector_store %arg9[%swap3A_28, %swap3A_29], %mul3A_27 {strides = array<i32>} : memref<128x128xf32, #tpu.memory_space<vmem>>, vector<128x128xf32>,
    %gt3A = arith.constant 5.000000e-01 : f32
    %gt3A_31 = vector.broadcast %gt3A : f32 to vector<128x128xf32>
    %gt3A_32 = arith.cmpf ogt, %get3A_10, %gt3A_31 : vector<128x128xf32>
    %lt3A = arith.constant 1.400000e+01 : f32
    %lt3A_33 = vector.broadcast %lt3A : f32 to vector<128x128xf32>
    %lt3A_34 = arith.cmpf olt, %sqrt3A, %lt3A_33 : vector<128x128xf32>
    %and3A = arith.andi %lt3A_34, %gt3A_32 : vector<128x128xi1>
    %convert_element_type3A = arith.extui %and3A : vector<128x128xi1> to vector<128x128xi32>
    %reduce_sum3A = vector.shape_cast %convert_element_type3A : vector<128x128xi32> to vector<1x128x128xi32>
    %reduce_sum3A_35 = arith.constant dense<0> : vector<1xi32>
    %reduce_sum3A_36 = vector.multi_reduction <add>, %reduce_sum3A, %reduce_sum3A_35 [1, 2] : vector<1x128x128xi32> to vector<1xi32>
    %reduce_sum3A_37 = vector.shape_cast %reduce_sum3A_36 : vector<1xi32> to vector<1x1x1xi32>
    %reduce_sum3A_38 = vector.extract %reduce_sum3A_37[0, 0, 0] : i32 from vector<1x1x1xi32>
    %swap3A_39 = arith.constant 0 : index
    %swap3A_40 = arith.constant 0 : index
    %swap3A_41 = memref.load %arg12[%swap3A_39, %swap3A_40] : memref<1x1xi32, #tpu.memory_space<smem>>
    memref.store %reduce_sum3A_38, %arg12[%swap3A_39, %swap3A_40] : memref<1x1xi32, #tpu.memory_space<smem>>
    %convert_element_type3A_42 = arith.extui %gt3A_32 : vector<128x128xi1> to vector<128x128xi32>
    %reduce_sum3A_43 = vector.shape_cast %convert_element_type3A_42 : vector<128x128xi32> to vector<1x128x128xi32>
    %reduce_sum3A_44 = arith.constant dense<0> : vector<1xi32>
    %reduce_sum3A_45 = vector.multi_reduction <add>, %reduce_sum3A_43, %reduce_sum3A_44 [1, 2] : vector<1x128x128xi32> to vector<1xi32>
    %reduce_sum3A_46 = vector.shape_cast %reduce_sum3A_45 : vector<1xi32> to vector<1x1x1xi32>
    %reduce_sum3A_47 = vector.extract %reduce_sum3A_46[0, 0, 0] : i32 from vector<1x1x1xi32>
    %swap3A_48 = arith.constant 0 : index
    %swap3A_49 = arith.constant 0 : index
    %swap3A_50 = memref.load %arg13[%swap3A_48, %swap3A_49] : memref<1x1xi32, #tpu.memory_space<smem>>
    memref.store %reduce_sum3A_47, %arg13[%swap3A_48, %swap3A_49] : memref<1x1xi32, #tpu.memory_space<smem>>
    %convert_element_type3A_51 = arith.extui %lt3A_34 : vector<128x128xi1> to vector<128x128xi32>
    %reduce_sum3A_52 = vector.shape_cast %convert_element_type3A_51 : vector<128x128xi32> to vector<1x128x128xi32>
    %reduce_sum3A_53 = arith.constant dense<0> : vector<1xi32>
    %reduce_sum3A_54 = vector.multi_reduction <add>, %reduce_sum3A_52, %reduce_sum3A_53 [1, 2] : vector<1x128x128xi32> to vector<1xi32>
    %reduce_sum3A_55 = vector.shape_cast %reduce_sum3A_54 : vector<1xi32> to vector<1x1x1xi32>
    %reduce_sum3A_56 = vector.extract %reduce_sum3A_55[0, 0, 0] : i32 from vector<1x1x1xi32>
    %swap3A_57 = arith.constant 0 : index
    %swap3A_58 = arith.constant 0 : index
    %swap3A_59 = memref.load %arg14[%swap3A_57, %swap3A_58] : memref<1x1xi32, #tpu.memory_space<smem>>
    memref.store %reduce_sum3A_56, %arg14[%swap3A_57, %swap3A_58] : memref<1x1xi32, #tpu.memory_space<smem>>
    %broadcast_in_dim3A = arith.constant 0.000000e+00 : f32
    %broadcast_in_dim3A_60 = vector.broadcast %broadcast_in_dim3A : f32 to vector<128x128xf32>
    %neg3A = arith.constant 0.000000e+00 : f32
    %neg3A_61 = vector.broadcast %neg3A : f32 to vector<128x128xf32>
    %neg3A_62 = arith.subf %neg3A_61, %get3A_13 : vector<128x128xf32>
    %neg3A_63 = arith.constant 0.000000e+00 : f32
    %neg3A_64 = vector.broadcast %neg3A_63 : f32 to vector<128x128xf32>
    %neg3A_65 = arith.subf %neg3A_64, %get3A_16 : vector<128x128xf32>
    %mul3A_66 = arith.mulf %get3A_1, %get3A_10 : vector<128x128xf32>
    %swap3A_67 = arith.constant 0 : index
    %swap3A_68 = arith.constant 0 : index
    %swap3A_69 = arith.constant 0 : index
    %swap3A_70 = vector.load %arg10[%swap3A_67, %swap3A_68, %swap3A_69] : memref<12x128x128xf32, #tpu.memory_space<vmem>>, vector<1x128x128xf32>
    %swap3A_71 = vector.shape_cast %swap3A_70 : vector<1x128x128xf32> to vector<128x128xf32>
    %swap3A_72 = vector.shape_cast %mul3A_66 : vector<128x128xf32> to vector<1x128x128xf32>
    tpu.vector_store %arg10[%swap3A_67, %swap3A_68, %swap3A_69], %swap3A_72 {strides = array<i32>} : memref<12x128x128xf32, #tpu.memory_space<vmem>>, vector<1x128x128xf32>,
    %mul3A_73 = arith.mulf %get3A_4, %get3A_10 : vector<128x128xf32>
    %swap3A_74 = arith.constant 1 : index
    %swap3A_75 = arith.constant 0 : index
    %swap3A_76 = arith.constant 0 : index
    %swap3A_77 = vector.load %arg10[%swap3A_74, %swap3A_75, %swap3A_76] : memref<12x128x128xf32, #tpu.memory_space<vmem>>, vector<1x128x128xf32>
    %swap3A_78 = vector.shape_cast %swap3A_77 : vector<1x128x128xf32> to vector<128x128xf32>
    %swap3A_79 = vector.shape_cast %mul3A_73 : vector<128x128xf32> to vector<1x128x128xf32>
    tpu.vector_store %arg10[%swap3A_74, %swap3A_75, %swap3A_76], %swap3A_79 {strides = array<i32>} : memref<12x128x128xf32, #tpu.memory_space<vmem>>, vector<1x128x128xf32>,
    %mul3A_80 = arith.mulf %get3A_7, %get3A_10 : vector<128x128xf32>
    %swap3A_81 = arith.constant 2 : index
    %swap3A_82 = arith.constant 0 : index
    %swap3A_83 = arith.constant 0 : index
    %swap3A_84 = vector.load %arg10[%swap3A_81, %swap3A_82, %swap3A_83] : memref<12x128x128xf32, #tpu.memory_space<vmem>>, vector<1x128x128xf32>
    %swap3A_85 = vector.shape_cast %swap3A_84 : vector<1x128x128xf32> to vector<128x128xf32>
    %swap3A_86 = vector.shape_cast %mul3A_80 : vector<128x128xf32> to vector<1x128x128xf32>
    tpu.vector_store %arg10[%swap3A_81, %swap3A_82, %swap3A_83], %swap3A_86 {strides = array<i32>} : memref<12x128x128xf32, #tpu.memory_space<vmem>>, vector<1x128x128xf32>,
    %swap3A_87 = arith.constant 3 : index
    %swap3A_88 = arith.constant 0 : index
    %swap3A_89 = arith.constant 0 : index
    %swap3A_90 = vector.load %arg10[%swap3A_87, %swap3A_88, %swap3A_89] : memref<12x128x128xf32, #tpu.memory_space<vmem>>, vector<1x128x128xf32>
    %swap3A_91 = vector.shape_cast %swap3A_90 : vector<1x128x128xf32> to vector<128x128xf32>
    %swap3A_92 = vector.shape_cast %get3A_10 : vector<128x128xf32> to vector<1x128x128xf32>
    tpu.vector_store %arg10[%swap3A_87, %swap3A_88, %swap3A_89], %swap3A_92 {strides = array<i32>} : memref<12x128x128xf32, #tpu.memory_space<vmem>>, vector<1x128x128xf32>,
    %swap3A_93 = arith.constant 4 : index
    %swap3A_94 = arith.constant 0 : index
    %swap3A_95 = arith.constant 0 : index
    %swap3A_96 = vector.load %arg10[%swap3A_93, %swap3A_94, %swap3A_95] : memref<12x128x128xf32, #tpu.memory_space<vmem>>, vector<1x128x128xf32>
    %swap3A_97 = vector.shape_cast %swap3A_96 : vector<1x128x128xf32> to vector<128x128xf32>
    %swap3A_98 = vector.shape_cast %broadcast_in_dim3A_60 : vector<128x128xf32> to vector<1x128x128xf32>
    tpu.vector_store %arg10[%swap3A_93, %swap3A_94, %swap3A_95], %swap3A_98 {strides = array<i32>} : memref<12x128x128xf32, #tpu.memory_space<vmem>>, vector<1x128x128xf32>,
    %swap3A_99 = arith.constant 5 : index
    %swap3A_100 = arith.constant 0 : index
    %swap3A_101 = arith.constant 0 : index
    %swap3A_102 = vector.load %arg10[%swap3A_99, %swap3A_100, %swap3A_101] : memref<12x128x128xf32, #tpu.memory_space<vmem>>, vector<1x128x128xf32>
    %swap3A_103 = vector.shape_cast %swap3A_102 : vector<1x128x128xf32> to vector<128x128xf32>
    %swap3A_104 = vector.shape_cast %broadcast_in_dim3A_60 : vector<128x128xf32> to vector<1x128x128xf32>
    tpu.vector_store %arg10[%swap3A_99, %swap3A_100, %swap3A_101], %swap3A_104 {strides = array<i32>} : memref<12x128x128xf32, #tpu.memory_space<vmem>>, vector<1x128x128xf32>,
    %swap3A_105 = arith.constant 6 : index
    %swap3A_106 = arith.constant 0 : index
    %swap3A_107 = arith.constant 0 : index
    %swap3A_108 = vector.load %arg10[%swap3A_105, %swap3A_106, %swap3A_107] : memref<12x128x128xf32, #tpu.memory_space<vmem>>, vector<1x128x128xf32>
    %swap3A_109 = vector.shape_cast %swap3A_108 : vector<1x128x128xf32> to vector<128x128xf32>
    %swap3A_110 = vector.shape_cast %broadcast_in_dim3A_60 : vector<128x128xf32> to vector<1x128x128xf32>
    tpu.vector_store %arg10[%swap3A_105, %swap3A_106, %swap3A_107], %swap3A_110 {strides = array<i32>} : memref<12x128x128xf32, #tpu.memory_space<vmem>>, vector<1x128x128xf32>,
    %swap3A_111 = arith.constant 7 : index
    %swap3A_112 = arith.constant 0 : index
    %swap3A_113 = arith.constant 0 : index
    %swap3A_114 = vector.load %arg10[%swap3A_111, %swap3A_112, %swap3A_113] : memref<12x128x128xf32, #tpu.memory_space<vmem>>, vector<1x128x128xf32>
    %swap3A_115 = vector.shape_cast %swap3A_114 : vector<1x128x128xf32> to vector<128x128xf32>
    %swap3A_116 = vector.shape_cast %broadcast_in_dim3A_60 : vector<128x128xf32> to vector<1x128x128xf32>
    tpu.vector_store %arg10[%swap3A_111, %swap3A_112, %swap3A_113], %swap3A_116 {strides = array<i32>} : memref<12x128x128xf32, #tpu.memory_space<vmem>>, vector<1x128x128xf32>,
    %mul3A_117 = arith.mulf %neg3A_62, %get3A_1 : vector<128x128xf32>
    %mul3A_118 = arith.mulf %mul3A_117, %get3A_10 : vector<128x128xf32>
    %swap3A_119 = arith.constant 8 : index
    %swap3A_120 = arith.constant 0 : index
    %swap3A_121 = arith.constant 0 : index
    %swap3A_122 = vector.load %arg10[%swap3A_119, %swap3A_120, %swap3A_121] : memref<12x128x128xf32, #tpu.memory_space<vmem>>, vector<1x128x128xf32>
    %swap3A_123 = vector.shape_cast %swap3A_122 : vector<1x128x128xf32> to vector<128x128xf32>
    %swap3A_124 = vector.shape_cast %mul3A_118 : vector<128x128xf32> to vector<1x128x128xf32>
    tpu.vector_store %arg10[%swap3A_119, %swap3A_120, %swap3A_121], %swap3A_124 {strides = array<i32>} : memref<12x128x128xf32, #tpu.memory_space<vmem>>, vector<1x128x128xf32>,
    %mul3A_125 = arith.mulf %neg3A_62, %get3A_4 : vector<128x128xf32>
    %mul3A_126 = arith.mulf %mul3A_125, %get3A_10 : vector<128x128xf32>
    %swap3A_127 = arith.constant 9 : index
    %swap3A_128 = arith.constant 0 : index
    %swap3A_129 = arith.constant 0 : index
    %swap3A_130 = vector.load %arg10[%swap3A_127, %swap3A_128, %swap3A_129] : memref<12x128x128xf32, #tpu.memory_space<vmem>>, vector<1x128x128xf32>
    %swap3A_131 = vector.shape_cast %swap3A_130 : vector<1x128x128xf32> to vector<128x128xf32>
    %swap3A_132 = vector.shape_cast %mul3A_126 : vector<128x128xf32> to vector<1x128x128xf32>
    tpu.vector_store %arg10[%swap3A_127, %swap3A_128, %swap3A_129], %swap3A_132 {strides = array<i32>} : memref<12x128x128xf32, #tpu.memory_space<vmem>>, vector<1x128x128xf32>,
    %mul3A_133 = arith.mulf %neg3A_62, %get3A_7 : vector<128x128xf32>
    %mul3A_134 = arith.mulf %mul3A_133, %get3A_10 : vector<128x128xf32>
    %swap3A_135 = arith.constant 10 : index
    %swap3A_136 = arith.constant 0 : index
    %swap3A_137 = arith.constant 0 : index
    %swap3A_138 = vector.load %arg10[%swap3A_135, %swap3A_136, %swap3A_137] : memref<12x128x128xf32, #tpu.memory_space<vmem>>, vector<1x128x128xf32>
    %swap3A_139 = vector.shape_cast %swap3A_138 : vector<1x128x128xf32> to vector<128x128xf32>
    %swap3A_140 = vector.shape_cast %mul3A_134 : vector<128x128xf32> to vector<1x128x128xf32>
    tpu.vector_store %arg10[%swap3A_135, %swap3A_136, %swap3A_137], %swap3A_140 {strides = array<i32>} : memref<12x128x128xf32, #tpu.memory_space<vmem>>, vector<1x128x128xf32>,
    %mul3A_141 = arith.mulf %neg3A_62, %get3A_10 : vector<128x128xf32>
    %swap3A_142 = arith.constant 11 : index
    %swap3A_143 = arith.constant 0 : index
    %swap3A_144 = arith.constant 0 : index
    %swap3A_145 = vector.load %arg10[%swap3A_142, %swap3A_143, %swap3A_144] : memref<12x128x128xf32, #tpu.memory_space<vmem>>, vector<1x128x128xf32>
    %swap3A_146 = vector.shape_cast %swap3A_145 : vector<1x128x128xf32> to vector<128x128xf32>
    %swap3A_147 = vector.shape_cast %mul3A_141 : vector<128x128xf32> to vector<1x128x128xf32>
    tpu.vector_store %arg10[%swap3A_142, %swap3A_143, %swap3A_144], %swap3A_147 {strides = array<i32>} : memref<12x128x128xf32, #tpu.memory_space<vmem>>, vector<1x128x128xf32>,
    %swap3A_148 = arith.constant 0 : index
    %swap3A_149 = arith.constant 0 : index
    %swap3A_150 = arith.constant 0 : index
    %swap3A_151 = vector.load %arg11[%swap3A_148, %swap3A_149, %swap3A_150] : memref<12x128x128xf32, #tpu.memory_space<vmem>>, vector<1x128x128xf32>
    %swap3A_152 = vector.shape_cast %swap3A_151 : vector<1x128x128xf32> to vector<128x128xf32>
    %swap3A_153 = vector.shape_cast %broadcast_in_dim3A_60 : vector<128x128xf32> to vector<1x128x128xf32>
    tpu.vector_store %arg11[%swap3A_148, %swap3A_149, %swap3A_150], %swap3A_153 {strides = array<i32>} : memref<12x128x128xf32, #tpu.memory_space<vmem>>, vector<1x128x128xf32>,
    %swap3A_154 = arith.constant 1 : index
    %swap3A_155 = arith.constant 0 : index
    %swap3A_156 = arith.constant 0 : index
    %swap3A_157 = vector.load %arg11[%swap3A_154, %swap3A_155, %swap3A_156] : memref<12x128x128xf32, #tpu.memory_space<vmem>>, vector<1x128x128xf32>
    %swap3A_158 = vector.shape_cast %swap3A_157 : vector<1x128x128xf32> to vector<128x128xf32>
    %swap3A_159 = vector.shape_cast %broadcast_in_dim3A_60 : vector<128x128xf32> to vector<1x128x128xf32>
    tpu.vector_store %arg11[%swap3A_154, %swap3A_155, %swap3A_156], %swap3A_159 {strides = array<i32>} : memref<12x128x128xf32, #tpu.memory_space<vmem>>, vector<1x128x128xf32>,
    %swap3A_160 = arith.constant 2 : index
    %swap3A_161 = arith.constant 0 : index
    %swap3A_162 = arith.constant 0 : index
    %swap3A_163 = vector.load %arg11[%swap3A_160, %swap3A_161, %swap3A_162] : memref<12x128x128xf32, #tpu.memory_space<vmem>>, vector<1x128x128xf32>
    %swap3A_164 = vector.shape_cast %swap3A_163 : vector<1x128x128xf32> to vector<128x128xf32>
    %swap3A_165 = vector.shape_cast %broadcast_in_dim3A_60 : vector<128x128xf32> to vector<1x128x128xf32>
    tpu.vector_store %arg11[%swap3A_160, %swap3A_161, %swap3A_162], %swap3A_165 {strides = array<i32>} : memref<12x128x128xf32, #tpu.memory_space<vmem>>, vector<1x128x128xf32>,
    %swap3A_166 = arith.constant 3 : index
    %swap3A_167 = arith.constant 0 : index
    %swap3A_168 = arith.constant 0 : index
    %swap3A_169 = vector.load %arg11[%swap3A_166, %swap3A_167, %swap3A_168] : memref<12x128x128xf32, #tpu.memory_space<vmem>>, vector<1x128x128xf32>
    %swap3A_170 = vector.shape_cast %swap3A_169 : vector<1x128x128xf32> to vector<128x128xf32>
    %swap3A_171 = vector.shape_cast %broadcast_in_dim3A_60 : vector<128x128xf32> to vector<1x128x128xf32>
    tpu.vector_store %arg11[%swap3A_166, %swap3A_167, %swap3A_168], %swap3A_171 {strides = array<i32>} : memref<12x128x128xf32, #tpu.memory_space<vmem>>, vector<1x128x128xf32>,
    %mul3A_172 = arith.mulf %get3A_1, %get3A_10 : vector<128x128xf32>
    %swap3A_173 = arith.constant 4 : index
    %swap3A_174 = arith.constant 0 : index
    %swap3A_175 = arith.constant 0 : index
    %swap3A_176 = vector.load %arg11[%swap3A_173, %swap3A_174, %swap3A_175] : memref<12x128x128xf32, #tpu.memory_space<vmem>>, vector<1x128x128xf32>
    %swap3A_177 = vector.shape_cast %swap3A_176 : vector<1x128x128xf32> to vector<128x128xf32>
    %swap3A_178 = vector.shape_cast %mul3A_172 : vector<128x128xf32> to vector<1x128x128xf32>
    tpu.vector_store %arg11[%swap3A_173, %swap3A_174, %swap3A_175], %swap3A_178 {strides = array<i32>} : memref<12x128x128xf32, #tpu.memory_space<vmem>>, vector<1x128x128xf32>,
    %mul3A_179 = arith.mulf %get3A_4, %get3A_10 : vector<128x128xf32>
    %swap3A_180 = arith.constant 5 : index
    %swap3A_181 = arith.constant 0 : index
    %swap3A_182 = arith.constant 0 : index
    %swap3A_183 = vector.load %arg11[%swap3A_180, %swap3A_181, %swap3A_182] : memref<12x128x128xf32, #tpu.memory_space<vmem>>, vector<1x128x128xf32>
    %swap3A_184 = vector.shape_cast %swap3A_183 : vector<1x128x128xf32> to vector<128x128xf32>
    %swap3A_185 = vector.shape_cast %mul3A_179 : vector<128x128xf32> to vector<1x128x128xf32>
    tpu.vector_store %arg11[%swap3A_180, %swap3A_181, %swap3A_182], %swap3A_185 {strides = array<i32>} : memref<12x128x128xf32, #tpu.memory_space<vmem>>, vector<1x128x128xf32>,
    %mul3A_186 = arith.mulf %get3A_7, %get3A_10 : vector<128x128xf32>
    %swap3A_187 = arith.constant 6 : index
    %swap3A_188 = arith.constant 0 : index
    %swap3A_189 = arith.constant 0 : index
    %swap3A_190 = vector.load %arg11[%swap3A_187, %swap3A_188, %swap3A_189] : memref<12x128x128xf32, #tpu.memory_space<vmem>>, vector<1x128x128xf32>
    %swap3A_191 = vector.shape_cast %swap3A_190 : vector<1x128x128xf32> to vector<128x128xf32>
    %swap3A_192 = vector.shape_cast %mul3A_186 : vector<128x128xf32> to vector<1x128x128xf32>
    tpu.vector_store %arg11[%swap3A_187, %swap3A_188, %swap3A_189], %swap3A_192 {strides = array<i32>} : memref<12x128x128xf32, #tpu.memory_space<vmem>>, vector<1x128x128xf32>,
    %swap3A_193 = arith.constant 7 : index
    %swap3A_194 = arith.constant 0 : index
    %swap3A_195 = arith.constant 0 : index
    %swap3A_196 = vector.load %arg11[%swap3A_193, %swap3A_194, %swap3A_195] : memref<12x128x128xf32, #tpu.memory_space<vmem>>, vector<1x128x128xf32>
    %swap3A_197 = vector.shape_cast %swap3A_196 : vector<1x128x128xf32> to vector<128x128xf32>
    %swap3A_198 = vector.shape_cast %get3A_10 : vector<128x128xf32> to vector<1x128x128xf32>
    tpu.vector_store %arg11[%swap3A_193, %swap3A_194, %swap3A_195], %swap3A_198 {strides = array<i32>} : memref<12x128x128xf32, #tpu.memory_space<vmem>>, vector<1x128x128xf32>,
    %mul3A_199 = arith.mulf %neg3A_65, %get3A_1 : vector<128x128xf32>
    %mul3A_200 = arith.mulf %mul3A_199, %get3A_10 : vector<128x128xf32>
    %swap3A_201 = arith.constant 8 : index
    %swap3A_202 = arith.constant 0 : index
    %swap3A_203 = arith.constant 0 : index
    %swap3A_204 = vector.load %arg11[%swap3A_201, %swap3A_202, %swap3A_203] : memref<12x128x128xf32, #tpu.memory_space<vmem>>, vector<1x128x128xf32>
    %swap3A_205 = vector.shape_cast %swap3A_204 : vector<1x128x128xf32> to vector<128x128xf32>
    %swap3A_206 = vector.shape_cast %mul3A_200 : vector<128x128xf32> to vector<1x128x128xf32>
    tpu.vector_store %arg11[%swap3A_201, %swap3A_202, %swap3A_203], %swap3A_206 {strides = array<i32>} : memref<12x128x128xf32, #tpu.memory_space<vmem>>, vector<1x128x128xf32>,
    %mul3A_207 = arith.mulf %neg3A_65, %get3A_4 : vector<128x128xf32>
    %mul3A_208 = arith.mulf %mul3A_207, %get3A_10 : vector<128x128xf32>
    %swap3A_209 = arith.constant 9 : index
    %swap3A_210 = arith.constant 0 : index
    %swap3A_211 = arith.constant 0 : index
    %swap3A_212 = vector.load %arg11[%swap3A_209, %swap3A_210, %swap3A_211] : memref<12x128x128xf32, #tpu.memory_space<vmem>>, vector<1x128x128xf32>
    %swap3A_213 = vector.shape_cast %swap3A_212 : vector<1x128x128xf32> to vector<128x128xf32>
    %swap3A_214 = vector.shape_cast %mul3A_208 : vector<128x128xf32> to vector<1x128x128xf32>
    tpu.vector_store %arg11[%swap3A_209, %swap3A_210, %swap3A_211], %swap3A_214 {strides = array<i32>} : memref<12x128x128xf32, #tpu.memory_space<vmem>>, vector<1x128x128xf32>,
    %mul3A_215 = arith.mulf %neg3A_65, %get3A_7 : vector<128x128xf32>
    %mul3A_216 = arith.mulf %mul3A_215, %get3A_10 : vector<128x128xf32>
    %swap3A_217 = arith.constant 10 : index
    %swap3A_218 = arith.constant 0 : index
    %swap3A_219 = arith.constant 0 : index
    %swap3A_220 = vector.load %arg11[%swap3A_217, %swap3A_218, %swap3A_219] : memref<12x128x128xf32, #tpu.memory_space<vmem>>, vector<1x128x128xf32>
    %swap3A_221 = vector.shape_cast %swap3A_220 : vector<1x128x128xf32> to vector<128x128xf32>
    %swap3A_222 = vector.shape_cast %mul3A_216 : vector<128x128xf32> to vector<1x128x128xf32>
    tpu.vector_store %arg11[%swap3A_217, %swap3A_218, %swap3A_219], %swap3A_222 {strides = array<i32>} : memref<12x128x128xf32, #tpu.memory_space<vmem>>, vector<1x128x128xf32>,
    %mul3A_223 = arith.mulf %neg3A_65, %get3A_10 : vector<128x128xf32>
    %swap3A_224 = arith.constant 11 : index
    %swap3A_225 = arith.constant 0 : index
    %swap3A_226 = arith.constant 0 : index
    %swap3A_227 = vector.load %arg11[%swap3A_224, %swap3A_225, %swap3A_226] : memref<12x128x128xf32, #tpu.memory_space<vmem>>, vector<1x128x128xf32>
    %swap3A_228 = vector.shape_cast %swap3A_227 : vector<1x128x128xf32> to vector<128x128xf32>
    %swap3A_229 = vector.shape_cast %mul3A_223 : vector<128x128xf32> to vector<1x128x128xf32>
    tpu.vector_store %arg11[%swap3A_224, %swap3A_225, %swap3A_226], %swap3A_229 {strides = array<i32>} : memref<12x128x128xf32, #tpu.memory_space<vmem>>, vector<1x128x128xf32>,
    return
  }
}

</mosaic_0001>

<sc_bundles>
// kernel: kernel.4.cloned.1.call-start
scs
__scs_entry_jumppad:
0x0: {  	(pc) =	sbr.rel $0x88, $3  }
0x1: {  	(tag) =	ssettag $0x0;
	lr =	simm.s32 $0x1  }
0x2: {  	[smem:$0x3F9B] =	sst lr;
	_ =	strace $0xD0000000  }
0x3: {  	_ = 	snop  }
0x4: {  	_ = 	snop  }
0x5: {  	_ = 	snop  }
0x6: {  	_ = 	snop  }
0x7: {  	_ = 	snop  }
__scs_overlays_trampoline_lowered:
0x8: {  	[smem:$0x3FAA] =	sst s0  }
0x9: {  	[smem:$0x3FAB] =	sst s1  }
0xa: {  	[smem:$0x3FAC] =	sst s2  }
0xb: {  	[smem:$0x3FAD] =	sst s3  }
0xc: {  	[smem:$0x3FAE] =	sst s4  }
0xd: {  	[smem:$0x3FAF] =	sst s5  }
0xe: {  	[smem:$0x3FB0] =	sst s6  }
0xf: {  	[smem:$0x3FB1] =	sst s7  }
0x10: {  	[smem:$0x3FB2] =	sst s8  }
0x11: {  	[smem:$0x3FB3] =	sst s9;
	s0 =	simm.s32 @!p0 $0x0  }
0x12: {  	s1 =	sld [smem:$0x3F99];
	s0 =	simm.s32 @p0 $0x1  }
0x13: {  	[smem:$0x3FB4] =	sst s0;
	s0 =	simm.s32 @!p1 $0x0  }
0x14: {  	s2 =	sld [smem:$0x3F98];
	s0 =	simm.s32 @p1 $0x1  }
0x15: {  	[smem:$0x3FB5] =	sst s0;
	s0 =	simm.s32 @!p2 $0x0  }
0x16: {  	s3 =	sld [smem:$0x3FDB];
	s0 =	simm.s32 @p2 $0x1  }
0x17: {  	s4 =	simm.s32 $0x1BF5;
	[smem:$0x3FB7] =	sst s0  }
0x18: {  	s0 =	sld [smem:$0x3F9A];
	_ =	swait.ge [sflag:s4], $0x0  }
0x19: {  	s7 =	sld [smem:$0x3F9B]  }
0x1a: {  	s8 =	sadd.s32 $0xFFFFE003, lr  }
0x1b: {  	s9 =	sadd.s32 $0xFFFFFEF7, lr;
	s5 =	simm.s32 $0xFFFFFFFF;
	p2 =	slt.u32 s8, $0xFFFFF086  }
0x1c: {  	p1 =	slt.u32 s9, $0xF7A;
	s5 =	simm.s32 @!p2 $0x0  }
0x1d: {  	s5 =	simm.s32 @p1 $0x1;
	p0 =	seq.s32 s7, s2  }
0x1e: {  	s7 =	smul.u32 @!p0 $0xF7A, s2;
	p2 =	seq.s32 @!p0 s5, $0x0  }
0x1f: {  	s9 =	smul.u32 $0xF7A, s1;
	s8 =	simm.s32 @!p0 $0x1BF5;
	p2 =	por !p2, p0  }
0x20: {  	[sflag:s8] =	ssyncset.s32 @!p0 $0xFFFFF086;
	s6 =	sadd.s32 @!p0 s3, s7;
	s7 =	simm.s32 @!p0 $0x108  }
0x21: {  	s3 =	sadd.s32 s3, s9;
	s6 =	sadd.s32 @!p0 $0x88, s6;
	s7 =	simm.s32 @p2 $0x1082  }
0x22: {  	[simem:s7], [sflag:s8] =	dma.local @!p0 [hbm:s6], $0xF7A  }
0x23: {  	s9 =	sor.u32 $0xD0000000, s2;
	s6 =	simm.s32 $0x108;
	_ =	swait.ge @!p0 [sflag:s8], $0x0  }
0x24: {  	s3 =	sadd.s32 $0x88, s3;
	s6 =	simm.s32 @!p1 $0x1082;
	[sflag:s4] =	ssyncset.s32 $0xFFFFF086  }
0x25: {  	[simem:s6], [sflag:s4] =	dma.local [hbm:s3], $0xF7A  }
0x26: {  	[smem:$0x3F9B] =	sst s1;
	(tag) =	ssettag s2;
	_ =	strace s9  }
0x27: {  	s1 =	sld [smem:$0x3FAB]  }
0x28: {  	s2 =	sld [smem:$0x3FAC]  }
0x29: {  	s4 =	sld [smem:$0x3FAE]  }
0x2a: {  	p0 =	seq.s32 s5, $0x0;
	s5 =	sld [smem:$0x3FAF]  }
0x2b: {  	s6 =	sld [smem:$0x3FB0]  }
0x2c: {  	s7 =	sld [smem:$0x3FB1]  }
0x2d: {  	s3 =	simm.s32 $0x108;
	s8 =	sld [smem:$0x3FB2]  }
0x2e: {  	s3 =	simm.s32 @!p0 $0x1082;
	s9 =	sld [smem:$0x3FB3]  }
0x2f: {  	lr =	sadd.s32 s0, s3;
	s0 =	sld [smem:$0x3FAA]  }
0x30: {  	s3 =	sld [smem:$0x3FAD]  }
0x31: {  	[smem:$0x3FB6] =	sst s10  }
0x32: {  	s10 =	sld [smem:$0x3FB4];
	_ =	sdelay $0x3  }
0x33: {  	p0 =	seq.s32 s10, $0x1;
	s10 =	sld [smem:$0x3FB6];
	_ =	sdelay $0x3  }
0x34: {  	[smem:$0x3FB6] =	sst s10  }
0x35: {  	s10 =	sld [smem:$0x3FB5];
	_ =	sdelay $0x3  }
0x36: {  	p1 =	seq.s32 s10, $0x1;
	s10 =	sld [smem:$0x3FB6];
	_ =	sdelay $0x3  }
0x37: {  	[smem:$0x3FB6] =	sst s10  }
0x38: {  	s10 =	sld [smem:$0x3FB7]  }
0x39: {  	_ = 	snop;
	(pc) =	sbr.ind lr, $3  }
0x3a: {  	_ = 	snop  }
0x3b: {  	_ = 	snop  }
0x3c: {  	p2 =	seq.s32 s10, $0x1;
	s10 =	sld [smem:$0x3FB6]  }
0x3d: {  	_ =	shalt  }
0x3e: {  	_ =	shalt  }
0x3f: {  	_ =	shalt  }
0x40: {  	_ =	shalt  }
0x41: {  	_ =	shalt  }
0x42: {  	_ =	shalt  }
0x43: {  	_ =	shalt  }
0x44: {  	_ =	shalt  }
0x45: {  	_ =	shalt  }
0x46: {  	_ =	shalt  }
0x47: {  	_ =	shalt  }
0x48: {  	_ =	shalt  }
0x49: {  	_ =	shalt  }
0x4a: {  	_ =	shalt  }
0x4b: {  	_ =	shalt  }
0x4c: {  	_ =	shalt  }
0x4d: {  	_ =	shalt  }
0x4e: {  	_ =	shalt  }
0x4f: {  	_ =	shalt  }
0x50: {  	_ =	shalt  }
0x51: {  	_ =	shalt  }
0x52: {  	_ =	shalt  }
0x53: {  	_ =	shalt  }
0x54: {  	_ =	shalt  }
0x55: {  	_ =	shalt  }
0x56: {  	_ =	shalt  }
0x57: {  	_ =	shalt  }
0x58: {  	_ =	shalt  }
0x59: {  	_ =	shalt  }
0x5a: {  	_ =	shalt  }
0x5b: {  	_ =	shalt  }
0x5c: {  	_ =	shalt  }
0x5d: {  	_ =	shalt  }
0x5e: {  	_ =	shalt  }
0x5f: {  	_ =	shalt  }
0x60: {  	_ =	shalt  }
0x61: {  	_ =	shalt  }
0x62: {  	_ =	shalt  }
0x63: {  	_ =	shalt  }
0x64: {  	_ =	shalt  }
0x65: {  	_ =	shalt  }
0x66: {  	_ =	shalt  }
0x67: {  	_ =	shalt  }
0x68: {  	_ =	shalt  }
0x69: {  	_ =	shalt  }
0x6a: {  	_ =	shalt  }
0x6b: {  	_ =	shalt  }
0x6c: {  	_ =	shalt  }
0x6d: {  	_ =	shalt  }
0x6e: {  	_ =	shalt  }
0x6f: {  	_ =	shalt  }
0x70: {  	_ =	shalt  }
0x71: {  	_ =	shalt  }
0x72: {  	_ =	shalt  }
0x73: {  	_ =	shalt  }
0x74: {  	_ =	shalt  }
0x75: {  	_ =	shalt  }
0x76: {  	_ =	shalt  }
0x77: {  	_ =	shalt  }
0x78: {  	_ =	shalt  }
0x79: {  	_ =	shalt  }
0x7a: {  	_ =	shalt  }
0x7b: {  	_ =	shalt  }
0x7c: {  	_ =	shalt  }
0x7d: {  	_ =	shalt  }
0x7e: {  	_ =	shalt  }
0x7f: {  	_ =	shalt  }
0x80: {  	_ =	shalt  }
0x81: {  	_ =	shalt  }
0x82: {  	_ =	shalt  }
0x83: {  	_ =	shalt  }
0x84: {  	_ =	shalt  }
0x85: {  	_ =	shalt  }
0x86: {  	_ =	shalt  }
0x87: {  	_ =	shalt  }
.Lfunc_end0:
.L_simem_size_0:
called_computation_lowered:
.L_overlay_start_0:
0x88: {  	s2 =	sld [smem:$0x3FD9]  }
0x89: {  	s3 =	sld [smem:$0x3FFE];
	_ =	sdelay $0x1  }
0x8a: {  	s1 =	srdreg.scid  }
0x8b: {  	s0 =	sand.u32 $0x1, s1  }
0x8c: {  	s14 =	sshll.u32 s0, $0xA;
	s2 =	sadd.s32 s3, s2  }
0x8d: {  	s2 =	sadd.s32 s2, s14  }
0x8e: {  	[smem:$0x3FC2] =	sst s2  }
0x8f: {  	_ = 	snop  }
0x90: {  	s2 =	sld [smem:$0x3FD0];
	_ =	sdelay $0x2  }
0x91: {  	s4 =	simm.s32 $0xA;
	s5 =	simm.s32 $0x10;
	s15 =	sld [smem:$0x3FC8]  }
0x92: {  	[smem:s5], [sflag:s4] =	dma.local [hbm:s2], $0x1  }
0x93: {  	_ =	swait.eq [sflag:s4], $0x1  }
0x94: {  	s16 =	sld [smem:$0x10];
	[sflag:s4] =	ssyncset.done $0x0  }
0x95: {  	s17 =	sld [smem:$0x11];
	[sflag:s4] =	ssyncadd.s32 $0xFFFFFFFF  }
0x96: {  	s18 =	sld [smem:$0x12];
	(tm) =	ssettm $0x1  }
0x97: {  	s6 =	sld [smem:$0x3FFB];
	_ =	sdelay $0x3  }
0x98: {  	_ =	strace s6  }
0x99: {  	s6 =	sld [smem:$0x3FFC];
	_ =	sdelay $0x3  }
0x9a: {  	_ =	strace s6  }
0x9b: {  	s6 =	sld [smem:$0x3FFD];
	_ =	sdelay $0x3  }
0x9c: {  	_ =	strace s6  }
0x9d: {  	_ =	strace $0x8FFFFFFF  }
0x9e: {  	s19 =	sld [smem:$0x3FDB];
	_ =	sdelay $0x1  }
0x9f: {  	s7 =	simm.s32 $_scs_section_size  }
0xa0: {  	s8 =	simm.s32 $_size__tile_overlayer_lowered;
	s9 =	simm.s32 $_tile_overlayer_lowered  }
0xa1: {  	s22 =	simm.s32 $0x1BFF;
	s21 =	sshll.u32 s9, $0x1;
	s6 =	sadd.s32 s7, s19  }
0xa2: {  	s10 =	simm.s32 $0x0;
	s20 =	sshll.u32 s8, $0x1;
	s8 =	sadd.s32 s21, s6  }
0xa3: {  	[timem:s10], [sflag:s22] =	dma.local [hbm:s8], s20  }
0xa4: {  	_ =	swait.ge [sflag:s22], s20  }
0xa5: {  	s7 =	ssub.s32 $0x0, s20;
	[sflag:s22] =	ssyncset.done $0x0  }
0xa6: {  	[sflag:s22] =	ssyncadd.s32 s7;
	_ =	sdelay $0x1  }
0xa7: {  	s23 =	simm.s32 $0x1B8B  }
0xa8: {  	_ =	swait.ge [sflag:s23], $0x1  }
0xa9: {  	[sflag:s23] =	ssyncset.done $0x0  }
0xaa: {  	s25 =	simm.s32 $0x1B8E;
	s24 =	sld [smem:$0x3FFE];
	[sflag:s23] =	ssyncadd.s32 $0xFFFFFFFF  }
0xab: {  	s26 =	simm.s32 $execute0_lowered;
	[smem:$0x3FD2] =	sst s25  }
0xac: {  	s8 =	sshll.u32 s26, $0x1;
	_ =	strace $0x80000046;
	[dreg:$0x1] =	wrdreg $0xFFFFFFFF  }
0xad: {  	s28 =	simm.s32 $_size_execute0_lowered;
	s6 =	sadd.s32 s6, s8;
	[dreg:$0x0] =	wrdreg $0x0  }
0xae: {  	s8 =	sshll.u32 s28, $0x1;
	[dreg:$0x2] =	wrdreg s6  }
0xaf: {  	[dreg:$0x3] =	wrdreg s8  }
0xb0: {  	[dreg:$0x4] =	wrdreg $0xC0  }
0xb1: {  	_ =	task [dreg:s10], $0x5FFFF  }
0xb2: {  	[dreg:$0x1] =	wrdreg $0xFFFFFFFF  }
0xb3: {  	[dreg:$0x0] =	wrdreg $0x60  }
0xb4: {  	[dreg:$0x2] =	wrdreg s24  }
0xb5: {  	[dreg:$0x3] =	wrdreg s15  }
0xb6: {  	[dreg:$0x4] =	wrdreg s17  }
0xb7: {  	[dreg:$0x5] =	wrdreg s16  }
0xb8: {  	[dreg:$0x6] =	wrdreg s18  }
0xb9: {  	[dreg:$0x7] =	wrdreg $0x9  }
0xba: {  	_ =	task.clear_ibuf [dreg:s10], $0x8FFFF;
	_ =	strace $0x90000046  }
0xbb: {  	s29 =	simm.s32 $0x9;
	_ =	strace $0x80000048  }
0xbc: {  	_ =	swait.ge [sflag:s29], $0x1  }
0xbd: {  	[sflag:s29] =	ssyncadd.s32 $0xFFFFFFFF  }
0xbe: {  	_ =	strace $0x90000048  }
0xbf: {  	_ =	sfence  }
0xc0: {  	s30 =	sld [smem:$0x0];
	_ =	sdelay $0x2  }
0xc1: {  	s31 =	sshll.u32 s1, $0xD;
	s1 =	sshrl.u32 s1, $0x2  }
0xc2: {  	s3 =	sand.u32 $0x4000, s31;
	s1 =	sadd.s32 s1, s30  }
0xc3: {  	s0 =	sor.u32 s3, s0;
	s1 =	sshll.u32 s1, $0x11  }
0xc4: {  	s0 =	sor.u32 s1, s0  }
0xc5: {  	s0 =	sadd.s32 $0x8F2B, s0  }
0xc6: {  	[sflag:s0] =	ssyncadd.remote.s32 $0x1  }
0xc7: {  	_ =	sfence.sel $0xFFFF  }
0xc8: {  	[dreg:$0x0] =	wrdreg $0xFFFFFFFF;
	(pc) =	sbr.abs _section_cstart, $3  }
0xc9: {  	[dreg:$0x1] =	wrdreg $0xFFFFFFFF  }
0xca: {  	_ =	task.clear_ibuf [dreg:s10], $0x2FFFF;
	_ =	strace $0x9FFFFFFF  }
0xcb: {  	(tm) =	ssettm $0x7FFFFFFF  }
tec
execute0_lowered:
.L_overlay_start_1:
0x0: {  	(tag) =	ssettag $0x1  }
0x1: {  	s10 =	rddreg [dreg:$0x0]  }
0x2: {  	s8 =	rddreg [dreg:$0x1]  }
0x3: {  	s0 =	rddreg [dreg:$0x2]  }
0x4: {  	s1 =	rddreg [dreg:$0x3]  }
0x5: {  	s3 =	rddreg [dreg:$0x4]  }
0x6: {  	s2 =	simm.s32 $0x0;
	s4 =	srdreg.scid;
	s5 =	stileid.u32  }
0x7: {  	s18 =	simm.s32 $0x3;
	s15 =	simm.s32 $0x80;
	s12 =	simm.s32 $0x200  }
0x8: {  	s19 =	simm.s32 $0x280;
	s16 =	simm.s32 $0x100;
	s20 =	simm.s32 $0x300  }
0x9: {  	s17 =	simm.s32 $0x180;
	s21 =	simm.s32 $0x380;
	s11 =	simm.s32 $0x400  }
0xa: {  	s22 =	simm.s32 $0x480;
	s23 =	simm.s32 $0x500;
	s24 =	simm.s32 $0x580  }
0xb: {  	s9 =	simm.s32 $0x600;
	s28 =	simm.s32 $0x780;
	p0 =	por $0x0, $0x0  }
0xc: {  	s29 =	simm.s32 $0x880;
	s30 =	simm.s32 $0x900;
	s4 =	sand.u32 $0x1, s4  }
0xd: {  	s31 =	simm.s32 $0x980;
	s6 =	sshll.u32 s4, $0x6;
	s4 =	ssub.s32 $0x2, s4  }
0xe: {  	[smem:$0x7FF] =	sst s2;
	s5 =	sshll.u32 s5, $0x7;
	s7 =	sshrl.u32 s4, $0x1  }
0xf: {  	_ =	strace $0x80000047;
	s5 =	sor.u32 s6, s5;
	s26 =	ssub.s32 s4, s7  }
0x10: {  	s6 =	sadd.s32 s5, s10;
	s0 =	sadd.s32 s0, s5;
	s7 =	smax.u32 s26, $0x1  }
0x11: {  	s25 =	sadd.s32 s1, s5;
	[dreg:$0x6] =	wrdreg s0;
	p1 =	sne.s32 s7, $0x1  }
.Ltmp0:
0x12: {  	s5 =	sadd.s32 s3, s5;
	[dreg:$0x7] =	wrdreg s25;
	(pc) =	sbr.rel @!p1 .LBB2_3-.Ltmp0, $4  }
0x13: {  	s14 =	sadd.s32 $0x4000, s10;
	s13 =	sadd.s32 $0x2000, s10;
	[dreg:$0x8] =	wrdreg s5  }
0x14: {  	s4 =	sadd.s32 $0x6000, s6;
	s3 =	sadd.s32 $0x6800, s6;
	s25 =	simm.s32 $0x680  }
0x15: {  	s26 =	simm.s32 $0x700;
	s6 =	simm.s32 $0x800;
	s5 =	simm.s32 $0x2  }
0x16: {  	s0 =	sadd.s32 $0xFFFFFFFF, s7;
	s7 =	simm.s32 $0x1;
	s1 =	rddreg [dreg:$0x6]  }
0x17: {  	[tilespmem:s2], [sflag:$0x3] =	stream.linear.gather [hbm4b:s1+s2], $0x200, $0x38;
	[tilespmem:$0xA00] =	vst v63  }
0x18: {  	_ =	swait.ge [sflag:s18], $0x200  }
0x19: {  	[sflag:s18] =	ssyncset.done $0x0  }
0x1a: {  	[sflag:s18] =	ssyncadd.s32 $0xFFFFFE00  }
0x1b: {  	[tilespmem:s12], [sflag:$0x1] =	stream.indirect.gather [hbm4b:s14+s15], $0x1, s2, s15, $0xb8;
	[tilespmem:$0xA00] =	vst v63  }
0x1c: {  	_ = 	snop  }
0x1d: {  	[tilespmem:s19], [sflag:$0x1] =	stream.indirect.gather [hbm4b:s14+s15], $0x1, s15, s15, $0xb8;
	[tilespmem:$0xA00] =	vst v63  }
0x1e: {  	_ = 	snop  }
0x1f: {  	[tilespmem:s20], [sflag:$0x1] =	stream.indirect.gather [hbm4b:s14+s15], $0x1, s16, s15, $0xb8;
	[tilespmem:$0xA00] =	vst v63  }
0x20: {  	_ = 	snop  }
0x21: {  	[tilespmem:s21], [sflag:$0x1] =	stream.indirect.gather [hbm4b:s14+s15], $0x1, s17, s15, $0xb8;
	[tilespmem:$0xA00] =	vst v63  }
0x22: {  	_ = 	snop  }
0x23: {  	[tilespmem:s11], [sflag:$0x1] =	stream.indirect.gather [hbm4b:s13+s15], $0x1, s2, s15, $0xb8;
	[tilespmem:$0xA00] =	vst v63  }
0x24: {  	_ = 	snop  }
0x25: {  	[tilespmem:s22], [sflag:$0x1] =	stream.indirect.gather [hbm4b:s13+s15], $0x1, s15, s15, $0xb8;
	[tilespmem:$0xA00] =	vst v63  }
0x26: {  	_ = 	snop  }
0x27: {  	[tilespmem:s23], [sflag:$0x1] =	stream.indirect.gather [hbm4b:s13+s15], $0x1, s16, s15, $0xb8;
	[tilespmem:$0xA00] =	vst v63  }
0x28: {  	_ = 	snop  }
0x29: {  	[tilespmem:s24], [sflag:$0x1] =	stream.indirect.gather [hbm4b:s13+s15], $0x1, s17, s15, $0xb8;
	[tilespmem:$0xA00] =	vst v63  }
0x2a: {  	_ = 	snop  }
0x2b: {  	[tilespmem:s9], [sflag:$0x1] =	stream.indirect.gather [hbm4b:s10+s15], $0x1, s2, s15, $0xb8;
	[tilespmem:$0xA00] =	vst v63  }
0x2c: {  	_ = 	snop  }
0x2d: {  	[tilespmem:s25], [sflag:$0x1] =	stream.indirect.gather [hbm4b:s10+s15], $0x1, s15, s15, $0xb8;
	[tilespmem:$0xA00] =	vst v63  }
0x2e: {  	_ = 	snop  }
0x2f: {  	[tilespmem:s26], [sflag:$0x1] =	stream.indirect.gather [hbm4b:s10+s15], $0x1, s16, s15, $0xb8;
	[tilespmem:$0xA00] =	vst v63  }
0x30: {  	_ = 	snop  }
0x31: {  	[tilespmem:s28], [sflag:$0x1] =	stream.indirect.gather [hbm4b:s10+s15], $0x1, s17, s15, $0xb8;
	[tilespmem:$0xA00] =	vst v63  }
0x32: {  	_ = 	snop  }
0x33: {  	[tilespmem:s6], [sflag:$0x1] =	stream.indirect.gather [hbm4b:s8+s15], $0x1, s2, s15, $0xb8;
	[tilespmem:$0xA00] =	vst v63  }
0x34: {  	_ = 	snop  }
0x35: {  	[tilespmem:s29], [sflag:$0x1] =	stream.indirect.gather [hbm4b:s8+s15], $0x1, s15, s15, $0xb8;
	[tilespmem:$0xA00] =	vst v63  }
0x36: {  	_ = 	snop  }
0x37: {  	[tilespmem:s30], [sflag:$0x1] =	stream.indirect.gather [hbm4b:s8+s15], $0x1, s16, s15, $0xb8;
	[tilespmem:$0xA00] =	vst v63  }
0x38: {  	_ = 	snop  }
0x39: {  	[tilespmem:s31], [sflag:$0x1] =	stream.indirect.gather [hbm4b:s8+s15], $0x1, s17, s15, $0xb8;
	[tilespmem:$0xA00] =	vst v63  }
0x3a: {  	_ =	swait.ge [sflag:s7], $0x80  }
0x3b: {  	[sflag:s7] =	ssyncset.done $0x0  }
0x3c: {  	[sflag:s7] =	ssyncadd.s32 $0xFFFFFF80  }
0x3d: {  	_ =	swait.ge [sflag:s7], $0x80  }
0x3e: {  	[sflag:s7] =	ssyncset.done $0x0  }
0x3f: {  	[sflag:s7] =	ssyncadd.s32 $0xFFFFFF80  }
0x40: {  	_ =	swait.ge [sflag:s7], $0x80  }
0x41: {  	[sflag:s7] =	ssyncset.done $0x0  }
0x42: {  	[sflag:s7] =	ssyncadd.s32 $0xFFFFFF80  }
0x43: {  	_ =	swait.ge [sflag:s7], $0x80  }
0x44: {  	[sflag:s7] =	ssyncset.done $0x0  }
0x45: {  	s1 =	rddreg [dreg:$0x7];
	[sflag:s7] =	ssyncadd.s32 $0xFFFFFF80  }
0x46: {  	[hbm4b:s1+s2] =	stream.linear.scatter [tilespmem:s12], [sflag:$0x2], $0x200, $0x38;
	[tilespmem:$0xA00] =	vst v63  }
0x47: {  	_ =	swait.ge [sflag:s7], $0x80  }
0x48: {  	[sflag:s7] =	ssyncset.done $0x0  }
0x49: {  	[sflag:s7] =	ssyncadd.s32 $0xFFFFFF80  }
0x4a: {  	_ =	swait.ge [sflag:s7], $0x80  }
0x4b: {  	[sflag:s7] =	ssyncset.done $0x0  }
0x4c: {  	[sflag:s7] =	ssyncadd.s32 $0xFFFFFF80  }
0x4d: {  	_ =	swait.ge [sflag:s7], $0x80  }
0x4e: {  	[sflag:s7] =	ssyncset.done $0x0  }
0x4f: {  	[sflag:s7] =	ssyncadd.s32 $0xFFFFFF80  }
0x50: {  	_ =	swait.ge [sflag:s7], $0x80  }
0x51: {  	[sflag:s7] =	ssyncset.done $0x0  }
0x52: {  	s1 =	rddreg [dreg:$0x8];
	[sflag:s7] =	ssyncadd.s32 $0xFFFFFF80  }
0x53: {  	[hbm4b:s1+s2] =	stream.linear.scatter [tilespmem:s11], [sflag:$0x2], $0x200, $0x38;
	[tilespmem:$0xA00] =	vst v63  }
0x54: {  	_ =	swait.ge [sflag:s7], $0x80  }
0x55: {  	[sflag:s7] =	ssyncset.done $0x0  }
0x56: {  	[sflag:s7] =	ssyncadd.s32 $0xFFFFFF80  }
0x57: {  	_ =	swait.ge [sflag:s7], $0x80  }
0x58: {  	[sflag:s7] =	ssyncset.done $0x0  }
0x59: {  	[sflag:s7] =	ssyncadd.s32 $0xFFFFFF80  }
0x5a: {  	_ =	swait.ge [sflag:s7], $0x80  }
0x5b: {  	[sflag:s7] =	ssyncset.done $0x0  }
0x5c: {  	[sflag:s7] =	ssyncadd.s32 $0xFFFFFF80  }
0x5d: {  	_ =	swait.ge [sflag:s7], $0x80  }
0x5e: {  	[sflag:s7] =	ssyncset.done $0x0  }
0x5f: {  	[sflag:s7] =	ssyncadd.s32 $0xFFFFFF80  }
0x60: {  	[hbm4b:s4+s2] =	stream.linear.scatter [tilespmem:s9], [sflag:$0x2], $0x200, $0x38;
	[tilespmem:$0xA00] =	vst v63  }
0x61: {  	_ =	swait.ge [sflag:s7], $0x80  }
0x62: {  	[sflag:s7] =	ssyncset.done $0x0  }
0x63: {  	[sflag:s7] =	ssyncadd.s32 $0xFFFFFF80  }
0x64: {  	_ =	swait.ge [sflag:s7], $0x80  }
0x65: {  	[sflag:s7] =	ssyncset.done $0x0  }
0x66: {  	[sflag:s7] =	ssyncadd.s32 $0xFFFFFF80  }
0x67: {  	_ =	swait.ge [sflag:s7], $0x80  }
0x68: {  	[sflag:s7] =	ssyncset.done $0x0  }
0x69: {  	[sflag:s7] =	ssyncadd.s32 $0xFFFFFF80  }
0x6a: {  	_ =	swait.ge [sflag:s7], $0x80  }
0x6b: {  	[sflag:s7] =	ssyncset.done $0x0  }
0x6c: {  	[sflag:s7] =	ssyncadd.s32 $0xFFFFFF80  }
0x6d: {  	[hbm4b:s3+s2] =	stream.linear.scatter [tilespmem:s6], [sflag:$0x2], $0x200, $0x38;
	[tilespmem:$0xA00] =	vst v63  }
0x6e: {  	_ =	swait.ge [sflag:s5], $0x200  }
0x6f: {  	[sflag:s5] =	ssyncset.done $0x0  }
0x70: {  	[sflag:s5] =	ssyncadd.s32 $0xFFFFFE00  }
0x71: {  	_ =	swait.ge [sflag:s5], $0x200  }
0x72: {  	[sflag:s5] =	ssyncset.done $0x0  }
0x73: {  	p1 =	sne.s32 s0, $0x1;
	[sflag:s5] =	ssyncadd.s32 $0xFFFFFE00  }
.Ltmp1:
0x74: {  	_ =	swait.ge [sflag:s5], $0x200;
	(pc) =	sbr.rel @!p1 .LBB2_3-.Ltmp1, $4  }
0x75: {  	[sflag:s5] =	ssyncset.done $0x0  }
0x76: {  	[sflag:s5] =	ssyncadd.s32 $0xFFFFFE00  }
0x77: {  	s0 =	sadd.s32 $0xFFFFFFFF, s0;
	_ =	swait.ge [sflag:s5], $0x200  }
0x78: {  	p0 =	por $0x1, $0x1;
	s1 =	rddreg [dreg:$0x6];
	[sflag:s5] =	ssyncset.done $0x0  }
.LBB2_2:
0x79: {  	[sflag:s5] =	ssyncadd.s32 $0xFFFFFE00  }
0x7a: {  	[tilespmem:s2], [sflag:$0x3] =	stream.linear.gather [hbm4b:s1+s2], $0x200, $0x38;
	[tilespmem:$0xA00] =	vst v63  }
0x7b: {  	_ =	swait.ge [sflag:s18], $0x200  }
0x7c: {  	[sflag:s18] =	ssyncset.done $0x0  }
0x7d: {  	[sflag:s18] =	ssyncadd.s32 $0xFFFFFE00  }
0x7e: {  	[tilespmem:s12], [sflag:$0x1] =	stream.indirect.gather [hbm4b:s14+s15], $0x1, s2, s15, $0xb8;
	[tilespmem:$0xA00] =	vst v63  }
0x7f: {  	_ = 	snop  }
0x80: {  	[tilespmem:s19], [sflag:$0x1] =	stream.indirect.gather [hbm4b:s14+s15], $0x1, s15, s15, $0xb8;
	[tilespmem:$0xA00] =	vst v63  }
0x81: {  	_ = 	snop  }
0x82: {  	[tilespmem:s20], [sflag:$0x1] =	stream.indirect.gather [hbm4b:s14+s15], $0x1, s16, s15, $0xb8;
	[tilespmem:$0xA00] =	vst v63  }
0x83: {  	_ = 	snop  }
0x84: {  	[tilespmem:s21], [sflag:$0x1] =	stream.indirect.gather [hbm4b:s14+s15], $0x1, s17, s15, $0xb8;
	[tilespmem:$0xA00] =	vst v63  }
0x85: {  	_ = 	snop  }
0x86: {  	[tilespmem:s11], [sflag:$0x1] =	stream.indirect.gather [hbm4b:s13+s15], $0x1, s2, s15, $0xb8;
	[tilespmem:$0xA00] =	vst v63  }
0x87: {  	_ = 	snop  }
0x88: {  	[tilespmem:s22], [sflag:$0x1] =	stream.indirect.gather [hbm4b:s13+s15], $0x1, s15, s15, $0xb8;
	[tilespmem:$0xA00] =	vst v63  }
0x89: {  	_ = 	snop  }
0x8a: {  	[tilespmem:s23], [sflag:$0x1] =	stream.indirect.gather [hbm4b:s13+s15], $0x1, s16, s15, $0xb8;
	[tilespmem:$0xA00] =	vst v63  }
0x8b: {  	_ = 	snop  }
0x8c: {  	[tilespmem:s24], [sflag:$0x1] =	stream.indirect.gather [hbm4b:s13+s15], $0x1, s17, s15, $0xb8;
	[tilespmem:$0xA00] =	vst v63  }
0x8d: {  	_ = 	snop  }
0x8e: {  	[tilespmem:s9], [sflag:$0x1] =	stream.indirect.gather [hbm4b:s10+s15], $0x1, s2, s15, $0xb8;
	[tilespmem:$0xA00] =	vst v63  }
0x8f: {  	_ = 	snop  }
0x90: {  	[tilespmem:s25], [sflag:$0x1] =	stream.indirect.gather [hbm4b:s10+s15], $0x1, s15, s15, $0xb8;
	[tilespmem:$0xA00] =	vst v63  }
0x91: {  	_ = 	snop  }
0x92: {  	[tilespmem:s26], [sflag:$0x1] =	stream.indirect.gather [hbm4b:s10+s15], $0x1, s16, s15, $0xb8;
	[tilespmem:$0xA00] =	vst v63  }
0x93: {  	_ = 	snop  }
0x94: {  	[tilespmem:s28], [sflag:$0x1] =	stream.indirect.gather [hbm4b:s10+s15], $0x1, s17, s15, $0xb8;
	[tilespmem:$0xA00] =	vst v63  }
0x95: {  	_ = 	snop  }
0x96: {  	[tilespmem:s6], [sflag:$0x1] =	stream.indirect.gather [hbm4b:s8+s15], $0x1, s2, s15, $0xb8;
	[tilespmem:$0xA00] =	vst v63  }
0x97: {  	_ = 	snop  }
0x98: {  	[tilespmem:s29], [sflag:$0x1] =	stream.indirect.gather [hbm4b:s8+s15], $0x1, s15, s15, $0xb8;
	[tilespmem:$0xA00] =	vst v63  }
0x99: {  	_ = 	snop  }
0x9a: {  	[tilespmem:s30], [sflag:$0x1] =	stream.indirect.gather [hbm4b:s8+s15], $0x1, s16, s15, $0xb8;
	[tilespmem:$0xA00] =	vst v63  }
0x9b: {  	_ = 	snop  }
0x9c: {  	[tilespmem:s31], [sflag:$0x1] =	stream.indirect.gather [hbm4b:s8+s15], $0x1, s17, s15, $0xb8;
	[tilespmem:$0xA00] =	vst v63  }
0x9d: {  	_ =	swait.ge [sflag:s7], $0x80  }
0x9e: {  	[sflag:s7] =	ssyncset.done $0x0  }
0x9f: {  	[sflag:s7] =	ssyncadd.s32 $0xFFFFFF80  }
0xa0: {  	_ =	swait.ge [sflag:s7], $0x80  }
0xa1: {  	[sflag:s7] =	ssyncset.done $0x0  }
0xa2: {  	[sflag:s7] =	ssyncadd.s32 $0xFFFFFF80  }
0xa3: {  	_ =	swait.ge [sflag:s7], $0x80  }
0xa4: {  	[sflag:s7] =	ssyncset.done $0x0  }
0xa5: {  	[sflag:s7] =	ssyncadd.s32 $0xFFFFFF80  }
0xa6: {  	_ =	swait.ge [sflag:s7], $0x80  }
0xa7: {  	[sflag:s7] =	ssyncset.done $0x0  }
0xa8: {  	s1 =	rddreg [dreg:$0x7];
	[sflag:s7] =	ssyncadd.s32 $0xFFFFFF80  }
0xa9: {  	[hbm4b:s1+s2] =	stream.linear.scatter [tilespmem:s12], [sflag:$0x2], $0x200, $0x38;
	[tilespmem:$0xA00] =	vst v63  }
0xaa: {  	_ =	swait.ge [sflag:s7], $0x80  }
0xab: {  	[sflag:s7] =	ssyncset.done $0x0  }
0xac: {  	[sflag:s7] =	ssyncadd.s32 $0xFFFFFF80  }
0xad: {  	_ =	swait.ge [sflag:s7], $0x80  }
0xae: {  	[sflag:s7] =	ssyncset.done $0x0  }
0xaf: {  	[sflag:s7] =	ssyncadd.s32 $0xFFFFFF80  }
0xb0: {  	_ =	swait.ge [sflag:s7], $0x80  }
0xb1: {  	[sflag:s7] =	ssyncset.done $0x0  }
0xb2: {  	[sflag:s7] =	ssyncadd.s32 $0xFFFFFF80  }
0xb3: {  	_ =	swait.ge [sflag:s7], $0x80  }
0xb4: {  	[sflag:s7] =	ssyncset.done $0x0  }
0xb5: {  	s1 =	rddreg [dreg:$0x8];
	[sflag:s7] =	ssyncadd.s32 $0xFFFFFF80  }
0xb6: {  	[hbm4b:s1+s2] =	stream.linear.scatter [tilespmem:s11], [sflag:$0x2], $0x200, $0x38;
	[tilespmem:$0xA00] =	vst v63  }
0xb7: {  	_ =	swait.ge [sflag:s7], $0x80  }
0xb8: {  	[sflag:s7] =	ssyncset.done $0x0  }
0xb9: {  	[sflag:s7] =	ssyncadd.s32 $0xFFFFFF80  }
0xba: {  	_ =	swait.ge [sflag:s7], $0x80  }
0xbb: {  	[sflag:s7] =	ssyncset.done $0x0  }
0xbc: {  	[sflag:s7] =	ssyncadd.s32 $0xFFFFFF80  }
0xbd: {  	_ =	swait.ge [sflag:s7], $0x80  }
0xbe: {  	[sflag:s7] =	ssyncset.done $0x0  }
0xbf: {  	[sflag:s7] =	ssyncadd.s32 $0xFFFFFF80  }
0xc0: {  	_ =	swait.ge [sflag:s7], $0x80  }
0xc1: {  	[sflag:s7] =	ssyncset.done $0x0  }
0xc2: {  	[sflag:s7] =	ssyncadd.s32 $0xFFFFFF80  }
0xc3: {  	[hbm4b:s4+s2] =	stream.linear.scatter [tilespmem:s9], [sflag:$0x2], $0x200, $0x38;
	[tilespmem:$0xA00] =	vst v63  }
0xc4: {  	_ =	swait.ge [sflag:s7], $0x80  }
0xc5: {  	[sflag:s7] =	ssyncset.done $0x0  }
0xc6: {  	[sflag:s7] =	ssyncadd.s32 $0xFFFFFF80  }
0xc7: {  	_ =	swait.ge [sflag:s7], $0x80  }
0xc8: {  	[sflag:s7] =	ssyncset.done $0x0  }
0xc9: {  	[sflag:s7] =	ssyncadd.s32 $0xFFFFFF80  }
0xca: {  	_ =	swait.ge [sflag:s7], $0x80  }
0xcb: {  	[sflag:s7] =	ssyncset.done $0x0  }
0xcc: {  	[sflag:s7] =	ssyncadd.s32 $0xFFFFFF80  }
0xcd: {  	_ =	swait.ge [sflag:s7], $0x80  }
0xce: {  	[sflag:s7] =	ssyncset.done $0x0  }
0xcf: {  	[sflag:s7] =	ssyncadd.s32 $0xFFFFFF80  }
0xd0: {  	[hbm4b:s3+s2] =	stream.linear.scatter [tilespmem:s6], [sflag:$0x2], $0x200, $0x38;
	[tilespmem:$0xA00] =	vst v63  }
0xd1: {  	_ =	swait.ge [sflag:s5], $0x200  }
0xd2: {  	[sflag:s5] =	ssyncset.done $0x0  }
0xd3: {  	[sflag:s5] =	ssyncadd.s32 $0xFFFFFE00  }
0xd4: {  	_ =	swait.ge [sflag:s5], $0x200  }
0xd5: {  	[sflag:s5] =	ssyncset.done $0x0  }
0xd6: {  	p1 =	sne.s32 s0, $0x1;
	[sflag:s5] =	ssyncadd.s32 $0xFFFFFE00  }
.Ltmp2:
0xd7: {  	_ =	swait.ge [sflag:s5], $0x200;
	(pc) =	sbr.rel @p1 .LBB2_2-.Ltmp2, $4  }
0xd8: {  	[sflag:s5] =	ssyncset.done $0x0  }
0xd9: {  	[sflag:s5] =	ssyncadd.s32 $0xFFFFFE00  }
0xda: {  	_ =	swait.ge [sflag:s5], $0x200  }
0xdb: {  	s0 =	sadd.s32 $0xFFFFFFFF, s0;
	s1 =	rddreg [dreg:$0x6];
	[sflag:s5] =	ssyncset.done $0x0  }
.LBB2_3:
0xdc: {  	[sflag:s5] =	ssyncadd.s32 @p0 $0xFFFFFE00  }
0xdd: {  	[tilespmem:s2], [sflag:$0x3] =	stream.linear.gather [hbm4b:s1+s2], $0x200, $0x38;
	[tilespmem:$0xA00] =	vst v63  }
0xde: {  	_ =	swait.ge [sflag:s18], $0x200  }
0xdf: {  	[sflag:s18] =	ssyncset.done $0x0  }
0xe0: {  	[sflag:s18] =	ssyncadd.s32 $0xFFFFFE00  }
0xe1: {  	[tilespmem:s12], [sflag:$0x1] =	stream.indirect.gather [hbm4b:s14+s15], $0x1, s2, s15, $0xb8;
	[tilespmem:$0xA00] =	vst v63  }
0xe2: {  	_ = 	snop  }
0xe3: {  	[tilespmem:s19], [sflag:$0x1] =	stream.indirect.gather [hbm4b:s14+s15], $0x1, s15, s15, $0xb8;
	[tilespmem:$0xA00] =	vst v63  }
0xe4: {  	_ = 	snop  }
0xe5: {  	[tilespmem:s20], [sflag:$0x1] =	stream.indirect.gather [hbm4b:s14+s15], $0x1, s16, s15, $0xb8;
	[tilespmem:$0xA00] =	vst v63  }
0xe6: {  	_ = 	snop  }
0xe7: {  	[tilespmem:s21], [sflag:$0x1] =	stream.indirect.gather [hbm4b:s14+s15], $0x1, s17, s15, $0xb8;
	[tilespmem:$0xA00] =	vst v63  }
0xe8: {  	_ = 	snop  }
0xe9: {  	[tilespmem:s11], [sflag:$0x1] =	stream.indirect.gather [hbm4b:s13+s15], $0x1, s2, s15, $0xb8;
	[tilespmem:$0xA00] =	vst v63  }
0xea: {  	_ = 	snop  }
0xeb: {  	[tilespmem:s22], [sflag:$0x1] =	stream.indirect.gather [hbm4b:s13+s15], $0x1, s15, s15, $0xb8;
	[tilespmem:$0xA00] =	vst v63  }
0xec: {  	_ = 	snop  }
0xed: {  	[tilespmem:s23], [sflag:$0x1] =	stream.indirect.gather [hbm4b:s13+s15], $0x1, s16, s15, $0xb8;
	[tilespmem:$0xA00] =	vst v63  }
0xee: {  	_ = 	snop  }
0xef: {  	[tilespmem:s24], [sflag:$0x1] =	stream.indirect.gather [hbm4b:s13+s15], $0x1, s17, s15, $0xb8;
	[tilespmem:$0xA00] =	vst v63  }
0xf0: {  	_ = 	snop  }
0xf1: {  	[tilespmem:s9], [sflag:$0x1] =	stream.indirect.gather [hbm4b:s10+s15], $0x1, s2, s15, $0xb8;
	[tilespmem:$0xA00] =	vst v63  }
0xf2: {  	_ = 	snop  }
0xf3: {  	[tilespmem:s25], [sflag:$0x1] =	stream.indirect.gather [hbm4b:s10+s15], $0x1, s15, s15, $0xb8;
	[tilespmem:$0xA00] =	vst v63  }
0xf4: {  	_ = 	snop  }
0xf5: {  	[tilespmem:s26], [sflag:$0x1] =	stream.indirect.gather [hbm4b:s10+s15], $0x1, s16, s15, $0xb8;
	[tilespmem:$0xA00] =	vst v63  }
0xf6: {  	_ = 	snop  }
0xf7: {  	[tilespmem:s28], [sflag:$0x1] =	stream.indirect.gather [hbm4b:s10+s15], $0x1, s17, s15, $0xb8;
	[tilespmem:$0xA00] =	vst v63  }
0xf8: {  	_ = 	snop  }
0xf9: {  	[tilespmem:s6], [sflag:$0x1] =	stream.indirect.gather [hbm4b:s8+s15], $0x1, s2, s15, $0xb8;
	[tilespmem:$0xA00] =	vst v63  }
0xfa: {  	_ = 	snop  }
0xfb: {  	[tilespmem:s29], [sflag:$0x1] =	stream.indirect.gather [hbm4b:s8+s15], $0x1, s15, s15, $0xb8;
	[tilespmem:$0xA00] =	vst v63  }
0xfc: {  	_ = 	snop  }
0xfd: {  	[tilespmem:s30], [sflag:$0x1] =	stream.indirect.gather [hbm4b:s8+s15], $0x1, s16, s15, $0xb8;
	[tilespmem:$0xA00] =	vst v63  }
0xfe: {  	_ = 	snop  }
0xff: {  	[tilespmem:s31], [sflag:$0x1] =	stream.indirect.gather [hbm4b:s8+s15], $0x1, s17, s15, $0xb8;
	[tilespmem:$0xA00] =	vst v63  }
0x100: {  	_ =	swait.ge [sflag:s7], $0x80  }
0x101: {  	[sflag:s7] =	ssyncset.done $0x0  }
0x102: {  	[sflag:s7] =	ssyncadd.s32 $0xFFFFFF80  }
0x103: {  	_ =	swait.ge [sflag:s7], $0x80  }
0x104: {  	[sflag:s7] =	ssyncset.done $0x0  }
0x105: {  	[sflag:s7] =	ssyncadd.s32 $0xFFFFFF80  }
0x106: {  	_ =	swait.ge [sflag:s7], $0x80  }
0x107: {  	[sflag:s7] =	ssyncset.done $0x0  }
0x108: {  	[sflag:s7] =	ssyncadd.s32 $0xFFFFFF80  }
0x109: {  	_ =	swait.ge [sflag:s7], $0x80  }
0x10a: {  	[sflag:s7] =	ssyncset.done $0x0  }
0x10b: {  	s0 =	rddreg [dreg:$0x7];
	[sflag:s7] =	ssyncadd.s32 $0xFFFFFF80  }
0x10c: {  	[hbm4b:s0+s2] =	stream.linear.scatter [tilespmem:s12], [sflag:$0x2], $0x200, $0x38;
	[tilespmem:$0xA00] =	vst v63  }
0x10d: {  	_ =	swait.ge [sflag:s7], $0x80  }
0x10e: {  	[sflag:s7] =	ssyncset.done $0x0  }
0x10f: {  	[sflag:s7] =	ssyncadd.s32 $0xFFFFFF80  }
0x110: {  	_ =	swait.ge [sflag:s7], $0x80  }
0x111: {  	[sflag:s7] =	ssyncset.done $0x0  }
0x112: {  	[sflag:s7] =	ssyncadd.s32 $0xFFFFFF80  }
0x113: {  	_ =	swait.ge [sflag:s7], $0x80  }
0x114: {  	[sflag:s7] =	ssyncset.done $0x0  }
0x115: {  	[sflag:s7] =	ssyncadd.s32 $0xFFFFFF80  }
0x116: {  	_ =	swait.ge [sflag:s7], $0x80  }
0x117: {  	[sflag:s7] =	ssyncset.done $0x0  }
0x118: {  	s30 =	rddreg [dreg:$0x8];
	[sflag:s7] =	ssyncadd.s32 $0xFFFFFF80  }
0x119: {  	[hbm4b:s30+s2] =	stream.linear.scatter [tilespmem:s11], [sflag:$0x2], $0x200, $0x38;
	[tilespmem:$0xA00] =	vst v63  }
0x11a: {  	_ =	swait.ge [sflag:s7], $0x80  }
0x11b: {  	[sflag:s7] =	ssyncset.done $0x0  }
0x11c: {  	[sflag:s7] =	ssyncadd.s32 $0xFFFFFF80  }
0x11d: {  	_ =	swait.ge [sflag:s7], $0x80  }
0x11e: {  	[sflag:s7] =	ssyncset.done $0x0  }
0x11f: {  	[sflag:s7] =	ssyncadd.s32 $0xFFFFFF80  }
0x120: {  	_ =	swait.ge [sflag:s7], $0x80  }
0x121: {  	[sflag:s7] =	ssyncset.done $0x0  }
0x122: {  	[sflag:s7] =	ssyncadd.s32 $0xFFFFFF80  }
0x123: {  	_ =	swait.ge [sflag:s7], $0x80  }
0x124: {  	[sflag:s7] =	ssyncset.done $0x0  }
0x125: {  	[sflag:s7] =	ssyncadd.s32 $0xFFFFFF80  }
0x126: {  	[hbm4b:s4+s2] =	stream.linear.scatter [tilespmem:s9], [sflag:$0x2], $0x200, $0x38;
	[tilespmem:$0xA00] =	vst v63  }
0x127: {  	_ =	swait.ge [sflag:s7], $0x80  }
0x128: {  	[sflag:s7] =	ssyncset.done $0x0  }
0x129: {  	[sflag:s7] =	ssyncadd.s32 $0xFFFFFF80  }
0x12a: {  	_ =	swait.ge [sflag:s7], $0x80  }
0x12b: {  	[sflag:s7] =	ssyncset.done $0x0  }
0x12c: {  	[sflag:s7] =	ssyncadd.s32 $0xFFFFFF80  }
0x12d: {  	_ =	swait.ge [sflag:s7], $0x80  }
0x12e: {  	[sflag:s7] =	ssyncset.done $0x0  }
0x12f: {  	[sflag:s7] =	ssyncadd.s32 $0xFFFFFF80  }
0x130: {  	_ =	swait.ge [sflag:s7], $0x80  }
0x131: {  	[sflag:s7] =	ssyncset.done $0x0  }
0x132: {  	[sflag:s7] =	ssyncadd.s32 $0xFFFFFF80  }
0x133: {  	[hbm4b:s3+s2] =	stream.linear.scatter [tilespmem:s6], [sflag:$0x2], $0x200, $0x38;
	[tilespmem:$0xA00] =	vst v63  }
0x134: {  	_ =	swait.ge [sflag:s5], $0x200  }
0x135: {  	[sflag:s5] =	ssyncset.done $0x0  }
0x136: {  	[sflag:s5] =	ssyncadd.s32 $0xFFFFFE00  }
0x137: {  	_ =	swait.ge [sflag:s5], $0x200  }
0x138: {  	[sflag:s5] =	ssyncset.done $0x0  }
0x139: {  	[sflag:s5] =	ssyncadd.s32 $0xFFFFFE00  }
0x13a: {  	_ =	swait.ge [sflag:s5], $0x200  }
0x13b: {  	[sflag:s5] =	ssyncset.done $0x0  }
0x13c: {  	[sflag:s5] =	ssyncadd.s32 $0xFFFFFE00  }
0x13d: {  	_ =	swait.ge [sflag:s5], $0x200  }
0x13e: {  	[sflag:s5] =	ssyncset.done $0x0  }
0x13f: {  	[sflag:s5] =	ssyncadd.s32 $0xFFFFFE00  }
0x140: {  	_ =	sfence.sel $0x180000  }
0x141: {  	[bflag:$0x0] =	sbarrier.arrive $0xFFFF  }
0x142: {  	_ =	strace $0x90000047  }
0x143: {  	s31 =	stileid.u32;
	[bflag:$0x2] =	sbarrier.arrive $0xFFFF  }
0x144: {  	p0 =	sne.s32 s31, $0x0;
	s0 =	rddreg [dreg:$0x5]  }
0x145: {  	s0 =	sadd.s32 @!p0 $0x100000, s0  }
0x146: {  	[sflag:s0] =	ssyncadd.tile.s32 @!p0 $0x1;
	_ =	shalt  }
.Lfunc_end2:
_tile_overlayer_lowered:
.L_overlay_start_2:
0x147: {  	(tag) =	ssettag $0x2  }
0x148: {  	s0 =	rddreg [dreg:$0x0];
	s2 =	stileid.u32  }
0x149: {  	s1 =	rddreg [dreg:$0x1];
	p0 =	sne.s32 s2, $0x0  }
0x14a: {  	s3 =	rddreg [dreg:$0x2];
	[bflag:$0x3] =	sbarrier.arrive $0xFFFF;
	s2 =	simm.s32 @!p0 $0x1C03  }
0x14b: {  	[timem:s3], [sflag:s2] =	dma.local @!p0 [hbm:s0], s1  }
0x14c: {  	s0 =	simm.s32 @!p0 $0x3  }
0x14d: {  	_ =	swait.ge @!p0 [sflag:s0], s1  }
0x14e: {  	s1 =	ssub.s32 @!p0 $0x0, s1;
	[sflag:s0] =	ssyncset.done @!p0 $0x0  }
0x14f: {  	[sflag:s0] =	ssyncadd.s32 @!p0 s1  }
0x150: {  	[bflag:$0x3] =	sbarrier.arrive $0xFFFF  }
0x151: {  	_ =	shalt  }

</sc_bundles>
